<compile_context>
chip_gen: v7x
topology: tpu7x:2x2x1
jax: 0.10.2.dev20260603
libtpu: 0.0.44.dev20260713+nightly
codegen_flags: <defaults>
</compile_context>

<pallas_src>
import functools

import jax
import jax.numpy as jnp
from jax import lax
from jax.experimental import pallas as pl
from jax.experimental.pallas import tpu as pltpu
from jax.experimental.pallas import tpu_sc as plsc

AF = 128
NF = 16
OD = 2 * AF
EPS = 1e-5



def _proj_body(atom_ref, ws_ref, wn_ref, b_ref, a_ref, p_ref):
    x = atom_ref[...]
    a_ref[...] = (
        jnp.dot(x, ws_ref[...], preferred_element_type=jnp.float32) + b_ref[...]
    )
    p_full = jnp.dot(x, wn_ref[...], preferred_element_type=jnp.float32)
    rf = p_full[:, :AF].astype(jnp.bfloat16).astype(jnp.float32)
    rc = p_full[:, AF:].astype(jnp.bfloat16).astype(jnp.float32)
    bits_f = lax.bitcast_convert_type(rf, jnp.uint32) >> 16
    bits_c = lax.bitcast_convert_type(rc, jnp.uint32) & jnp.uint32(0xFFFF0000)
    p_ref[...] = lax.bitcast_convert_type(bits_c | bits_f, jnp.int32)


def _proj(atom, w_self, w_nbr, b2d, bn):
    n = atom.shape[0]
    grid = n // bn
    return pl.pallas_call(
        _proj_body,
        grid=(grid,),
        in_specs=[
            pl.BlockSpec((bn, AF), lambda i: (i, 0)),
            pl.BlockSpec((AF, OD), lambda i: (0, 0)),
            pl.BlockSpec((AF, OD), lambda i: (0, 0)),
            pl.BlockSpec((1, OD), lambda i: (0, 0)),
        ],
        out_specs=[
            pl.BlockSpec((bn, OD), lambda i: (i, 0)),
            pl.BlockSpec((bn, AF), lambda i: (i, 0)),
        ],
        out_shape=[
            jax.ShapeDtypeStruct((n, OD), jnp.float32),
            jax.ShapeDtypeStruct((n, AF), jnp.int32),
        ],
    )(atom, w_self, w_nbr, b2d)




def _flatten_idx(idx, m):
    return idx.reshape(idx.shape[0] * m)



def _gather_rows(table, idx_flat, e0, e_chunk):
    info = plsc.get_sparse_core_info()
    nc, ns = info.num_cores, info.num_subcores
    nw = nc * ns
    per_w = e_chunk // nw
    _CH = 80 if per_w % 80 == 0 else 40
    n_ch = per_w // _CH
    mesh = plsc.VectorSubcoreMesh(core_axis_name="c", subcore_axis_name="s")

    @functools.partial(
        pl.kernel,
        mesh=mesh,
        out_type=jax.ShapeDtypeStruct((e_chunk, AF), jnp.int32),
        scratch_types=[
            pltpu.VMEM((per_w,), jnp.int32),
            pltpu.VMEM((_CH, AF), jnp.int32),
            pltpu.VMEM((_CH, AF), jnp.int32),
            pltpu.SemaphoreType.DMA,
            pltpu.SemaphoreType.DMA,
        ],
    )
    def k(p_hbm, idx_hbm, out_hbm, idx_v, rows_a, rows_b, sem_a, sem_b):
        wid = lax.axis_index("s") * nc + lax.axis_index("c")
        base = wid * per_w
        pltpu.sync_copy(idx_hbm.at[pl.ds(e0 + base, per_w)], idx_v)

        def start(t, rows, sem):
            pltpu.async_copy(p_hbm.at[idx_v.at[pl.ds(t * _CH, _CH)]], rows, sem)

        def drain(t, rows, sem):
            pltpu.make_async_copy(
                p_hbm.at[idx_v.at[pl.ds(t * _CH, _CH)]], rows, sem
            ).wait()
            pltpu.sync_copy(rows, out_hbm.at[pl.ds(base + t * _CH, _CH)])

        start(0, rows_a, sem_a)

        def body(t, carry):
            @pl.when(lax.rem(t, 2) == 0)
            def _():
                start(t + 1, rows_b, sem_b)
                drain(t, rows_a, sem_a)

            @pl.when(lax.rem(t, 2) == 1)
            def _():
                start(t + 1, rows_a, sem_a)
                drain(t, rows_b, sem_b)

            return carry

        lax.fori_loop(0, n_ch - 1, body, 0)
        if (n_ch - 1) % 2 == 0:
            drain(n_ch - 1, rows_a, sem_a)
        else:
            drain(n_ch - 1, rows_b, sem_b)

    return k(table, idx_flat)


def _unpack(g_ref):
    w = lax.bitcast_convert_type(g_ref[...], jnp.uint32)
    pf = lax.bitcast_convert_type(w << 16, jnp.float32)
    pc = lax.bitcast_convert_type(w & jnp.uint32(0xFFFF0000), jnp.float32)
    return pf, pc




def _stats_body(g_ref, nbr_ref, a_ref, we_ref, out_ref, *, bn, m):
    c = jnp.dot(nbr_ref[...], we_ref[...], preferred_element_type=jnp.float32)
    a = a_ref[...]
    arep = jnp.broadcast_to(a[:, None, :], (bn, m, OD)).reshape(bn * m, OD)
    pf, pc = _unpack(g_ref)
    gf = pf + c[:, :AF] + arep[:, :AF]
    gc = pc + c[:, AF:] + arep[:, AF:]
    out_ref[0, 0, :] = jnp.sum(gf, axis=0)
    out_ref[0, 1, :] = jnp.sum(gc, axis=0)
    out_ref[0, 2, :] = jnp.sum(gf * gf, axis=0)
    out_ref[0, 3, :] = jnp.sum(gc * gc, axis=0)


def _stats(g32, nbr_flat, a, w_edge, bn, m, nb0, n_chunk):
    grid = n_chunk // bn
    be = bn * m
    b0 = nb0 // bn
    return pl.pallas_call(
        functools.partial(_stats_body, bn=bn, m=m),
        grid=(grid,),
        in_specs=[
            pl.BlockSpec((be, AF), lambda i: (i, 0)),
            pl.BlockSpec((be, NF), lambda i, b0=b0: (i + b0, 0)),
            pl.BlockSpec((bn, OD), lambda i, b0=b0: (i + b0, 0)),
            pl.BlockSpec((NF, OD), lambda i: (0, 0)),
        ],
        out_specs=pl.BlockSpec((1, 4, AF), lambda i: (i, 0, 0)),
        out_shape=jax.ShapeDtypeStruct((grid, 4, AF), jnp.float32),
    )(g32, nbr_flat, a, w_edge)




def _apply_body(
    g_ref, nbr_ref, a_ref, we_ref, sc_ref, sh_ref, s_ref, p2_ref, *, bn, m
):
    c = jnp.dot(nbr_ref[...], we_ref[...], preferred_element_type=jnp.float32)
    a = a_ref[...]
    arep = jnp.broadcast_to(a[:, None, :], (bn, m, OD)).reshape(bn * m, OD)
    pf, pc = _unpack(g_ref)
    gf = pf + c[:, :AF] + arep[:, :AF]
    gc = pc + c[:, AF:] + arep[:, AF:]
    scv = sc_ref[...]
    shv = sh_ref[...]
    hf = gf * scv[:, :AF] + shv[:, :AF]
    hc = gc * scv[:, AF:] + shv[:, AF:]
    prod = jax.nn.sigmoid(hf) * jax.nn.softplus(hc)
    s = jnp.sum(prod.reshape(bn, m, AF), axis=1)
    s_ref[...] = s
    p2_ref[0, 0, :] = jnp.sum(s, axis=0)
    p2_ref[0, 1, :] = jnp.sum(s * s, axis=0)


def _apply(g32, nbr_flat, a, w_edge, scale2d, shift2d, bn, m, nb0, n_chunk):
    grid = n_chunk // bn
    be = bn * m
    b0 = nb0 // bn
    return pl.pallas_call(
        functools.partial(_apply_body, bn=bn, m=m),
        grid=(grid,),
        in_specs=[
            pl.BlockSpec((be, AF), lambda i: (i, 0)),
            pl.BlockSpec((be, NF), lambda i, b0=b0: (i + b0, 0)),
            pl.BlockSpec((bn, OD), lambda i, b0=b0: (i + b0, 0)),
            pl.BlockSpec((NF, OD), lambda i: (0, 0)),
            pl.BlockSpec((1, OD), lambda i: (0, 0)),
            pl.BlockSpec((1, OD), lambda i: (0, 0)),
        ],
        out_specs=[
            pl.BlockSpec((bn, AF), lambda i: (i, 0)),
            pl.BlockSpec((1, 2, AF), lambda i: (i, 0, 0)),
        ],
        out_shape=[
            jax.ShapeDtypeStruct((n_chunk, AF), jnp.float32),
            jax.ShapeDtypeStruct((grid, 2, AF), jnp.float32),
        ],
    )(g32, nbr_flat, a, w_edge, scale2d, shift2d)




def _final_body(atom_ref, s_ref, sc_ref, sh_ref, out_ref):
    out_ref[...] = jax.nn.softplus(
        atom_ref[...] + s_ref[...] * sc_ref[...] + sh_ref[...]
    )


def _final(atom, s, scale2d, shift2d, bn):
    n = atom.shape[0]
    grid = n // bn
    return pl.pallas_call(
        _final_body,
        grid=(grid,),
        in_specs=[
            pl.BlockSpec((bn, AF), lambda i: (i, 0)),
            pl.BlockSpec((bn, AF), lambda i: (i, 0)),
            pl.BlockSpec((1, AF), lambda i: (0, 0)),
            pl.BlockSpec((1, AF), lambda i: (0, 0)),
        ],
        out_specs=pl.BlockSpec((bn, AF), lambda i: (i, 0)),
        out_shape=jax.ShapeDtypeStruct((n, AF), jnp.float32),
    )(atom, s, scale2d, shift2d)




def kernel(
    atom_in_fea,
    nbr_fea,
    nbr_fea_idx,
    W_full,
    b_full,
    gamma1,
    beta1,
    gamma2,
    beta2,
):
    n, m = nbr_fea_idx.shape
    e = n * m

    w_self = W_full[:AF]
    w_nbr = W_full[AF : 2 * AF]
    w_edge = W_full[2 * AF :]
    b2d = b_full.reshape(1, OD)
    idx_flat = _flatten_idx(nbr_fea_idx, m)
    nbr_flat = nbr_fea.reshape(e, NF)

    a_mat, p_packed = _proj(atom_in_fea, w_self, w_nbr, b2d, bn=1000)

    n_chunks = 1
    n_per = n // n_chunks
    e_per = e // n_chunks
    gs = [
        _gather_rows(p_packed, idx_flat, k * e_per, e_per)
        for k in range(n_chunks)
    ]

    bn = 200
    parts = [
        _stats(gs[k], nbr_flat, a_mat, w_edge, bn, m, k * n_per, n_per)
        for k in range(n_chunks)
    ]
    partials = jnp.concatenate(parts, axis=0)
    s1 = jnp.concatenate(
        [jnp.sum(partials[:, 0, :], axis=0), jnp.sum(partials[:, 1, :], axis=0)]
    )
    s2 = jnp.concatenate(
        [jnp.sum(partials[:, 2, :], axis=0), jnp.sum(partials[:, 3, :], axis=0)]
    )
    cnt = jnp.float32(e)
    mean1 = s1 / cnt
    var1 = s2 / cnt - mean1 * mean1
    scale1 = gamma1 * lax.rsqrt(var1 + EPS)
    shift1 = beta1 - mean1 * scale1

    sc1 = scale1.reshape(1, OD)
    sh1 = shift1.reshape(1, OD)
    s_parts = []
    p2_parts = []
    for k in range(n_chunks):
        s_k, p2_k = _apply(
            gs[k], nbr_flat, a_mat, w_edge, sc1, sh1, bn, m, k * n_per, n_per
        )
        s_parts.append(s_k)
        p2_parts.append(p2_k)
    s_mat = jnp.concatenate(s_parts, axis=0)
    p2 = jnp.concatenate(p2_parts, axis=0)
    t1 = jnp.sum(p2[:, 0, :], axis=0)
    t2 = jnp.sum(p2[:, 1, :], axis=0)
    cn = jnp.float32(n)
    mean2 = t1 / cn
    var2 = t2 / cn - mean2 * mean2
    scale2 = gamma2 * lax.rsqrt(var2 + EPS)
    shift2 = beta2 - mean2 * scale2

    return _final(
        atom_in_fea, s_mat, scale2.reshape(1, AF), shift2.reshape(1, AF), bn=1000
    )

# --- scband reference (transcript-rebuilt; emitter-appended) ---
"""Pipeline reference for scband-conv-layer-20985210208825 (READ-ONLY COPY).

The authoritative reference and input builder live on the scoring server;
editing this copy changes nothing except your own understanding.
"""

import jax, jax.numpy as jnp
import numpy as np

N = 10000
M = 32
AF = 128  # atom_fea_len
NF = 16   # nbr_fea_len


def setup_inputs(seed: int = 0) -> dict:
    key = jax.random.key(seed)
    ks = jax.random.split(key, 6)
    atom_in_fea = jax.random.normal(ks[0], (N, AF), dtype=jnp.float32)
    nbr_fea = jax.random.normal(ks[1], (N, M, NF), dtype=jnp.float32)
    nbr_fea_idx = jax.random.randint(ks[2], (N, M), 0, N, dtype=jnp.int32)
    in_dim = 2 * AF + NF  # 272
    out_dim = 2 * AF      # 256
    # lecun_normal init for Dense kernel
    W_full = jax.random.normal(ks[3], (in_dim, out_dim), dtype=jnp.float32) / jnp.sqrt(float(in_dim))
    b_full = jnp.zeros((out_dim,), dtype=jnp.float32)
    # BatchNorm scale/bias params (flax defaults: ones / zeros)
    gamma1 = jnp.ones((out_dim,), dtype=jnp.float32)
    beta1 = jnp.zeros((out_dim,), dtype=jnp.float32)
    gamma2 = jnp.ones((AF,), dtype=jnp.float32)
    beta2 = jnp.zeros((AF,), dtype=jnp.float32)
    return {
        "atom_in_fea": atom_in_fea,
        "nbr_fea": nbr_fea,
        "nbr_fea_idx": nbr_fea_idx,
        "W_full": W_full,
        "b_full": b_full,
        "gamma1": gamma1,
        "beta1": beta1,
        "gamma2": gamma2,
        "beta2": beta2,
    }


def _batchnorm_train(x, gamma, beta, eps=1e-5):
    # flax nn.BatchNorm with use_running_average=False: normalize over batch axis
    mean = jnp.mean(x, axis=0)
    var = jnp.var(x, axis=0)
    return (x - mean) * jax.lax.rsqrt(var + eps) * gamma + beta


def reference(atom_in_fea, nbr_fea, nbr_fea_idx, W_full, b_full, gamma1, beta1, gamma2, beta2):
    n, m = nbr_fea_idx.shape
    af = atom_in_fea.shape[-1]
    # gather neighbor atom features (memory-bound gather)
    atom_nbr_fea = atom_in_fea[nbr_fea_idx]  # (N, M, AF)
    atom_in_fea_expanded = jnp.broadcast_to(atom_in_fea[:, None, :], (n, m, af))
    total_nbr_fea = jnp.concatenate([atom_in_fea_expanded, atom_nbr_fea, nbr_fea], axis=-1)  # (N, M, 2*AF+NF)
    total_gated_fea = total_nbr_fea @ W_full + b_full  # (N, M, 2*AF)
    total_gated_fea = total_gated_fea.reshape(-1, 2 * af)
    total_gated_fea = _batchnorm_train(total_gated_fea, gamma1, beta1)
    total_gated_fea = total_gated_fea.reshape(n, m, 2 * af)
    nbr_filter, nbr_core = jnp.split(total_gated_fea, 2, axis=-1)
    nbr_filter = jax.nn.sigmoid(nbr_filter)
    nbr_core = jax.nn.softplus(nbr_core)
    nbr_sumed = jnp.sum(nbr_filter * nbr_core, axis=1)  # (N, AF)
    nbr_sumed = _batchnorm_train(nbr_sumed, gamma2, beta2)
    out = jax.nn.softplus(atom_in_fea + nbr_sumed)
    return out

if __name__ == "__main__":
    import jax
    _d = setup_inputs()
    print(jax.jit(kernel)(*tuple(_d.values())))

</pallas_src>

<mosaic_0001>
#map = affine_map<(d0, d1) -> (0, 0)>
#map1 = affine_map<(d0, d1) -> (0)>
module attributes {stable_mosaic.version = 14 : i64} {
  func.func @k(%arg0: i32, %arg1: i32, %arg2: memref<10000x128xi32, #tpu.memory_space<hbm>>, %arg3: memref<320000xi32, #tpu.memory_space<hbm>>, %arg4: memref<320000x128xi32, #tpu.memory_space<hbm>>, %arg5: memref<10000xi32, #tpu.memory_space<vmem>>, %arg6: memref<80x128xi32, #tpu.memory_space<vmem>>, %arg7: memref<80x128xi32, #tpu.memory_space<vmem>>, %arg8: memref<!tpu.dma_semaphore, #tpu.memory_space<semaphore_mem>>, %arg9: memref<!tpu.dma_semaphore, #tpu.memory_space<semaphore_mem>>) attributes {dimension_semantics = [#tpu.dimension_semantics<core_parallel>, #tpu.dimension_semantics<subcore_parallel>], iteration_bounds = array<i64: 2, 16>, scalar_prefetch = 0 : i64, scratch_operands = 5 : i64, tpu.core_type = #tpu.core_type<sc_vector_subcore>, window_params = [{transform_indices = #map}, {transform_indices = #map1}, {transform_indices = #map}]} {
    %mul3A = arith.constant 2 : i32
    %mul3A_0 = arith.muli %arg1, %mul3A : i32
    %add3A = arith.addi %mul3A_0, %arg0 : i32
    %mul3A_1 = arith.constant 10000 : i32
    %mul3A_2 = arith.muli %add3A, %mul3A_1 : i32
    %add3A_3 = arith.constant 0 : i32
    %add3A_4 = arith.addi %add3A_3, %mul3A_2 : i32
    "tpu.region"() ({
      %run_scoped3A = tpu.sem_alloc : memref<!tpu.dma_semaphore, #tpu.memory_space<semaphore_mem>>
      %dma_start3A_20 = tpu.memref_slice %arg3[%add3A_4] : memref<320000xi32, #tpu.memory_space<hbm>> -> memref<10000xi32, #tpu.memory_space<hbm>>
      %dma_start3A_21 = tpu.memref_slice %arg3[%add3A_4] : memref<320000xi32, #tpu.memory_space<hbm>> -> memref<10000xi32, #tpu.memory_space<hbm>>
      tpu.enqueue_dma source(%dma_start3A_21 : memref<10000xi32, #tpu.memory_space<hbm>>) target(%arg5 : memref<10000xi32, #tpu.memory_space<vmem>>) target_semaphore(%run_scoped3A : memref<!tpu.dma_semaphore, #tpu.memory_space<semaphore_mem>>)
      %dma_wait3A_22 = tpu.memref_slice %arg3[%add3A_4] : memref<320000xi32, #tpu.memory_space<hbm>> -> memref<10000xi32, #tpu.memory_space<hbm>>
      %dma_wait3A_23 = tpu.memref_slice %arg3[%add3A_4] : memref<320000xi32, #tpu.memory_space<hbm>> -> memref<10000xi32, #tpu.memory_space<hbm>>
      tpu.wait_dma2 semaphore(%run_scoped3A : memref<!tpu.dma_semaphore, #tpu.memory_space<semaphore_mem>>) src(%dma_wait3A_23 : memref<10000xi32, #tpu.memory_space<hbm>>) dst(%arg5 : memref<10000xi32, #tpu.memory_space<vmem>>)
      tpu.yield
    }) : () -> ()
    %dma_start3A = arith.constant 0 : i32
    %dma_start3A_5 = tpu.memref_slice %arg5[%dma_start3A] : memref<10000xi32, #tpu.memory_space<vmem>> -> memref<80xi32, #tpu.memory_space<vmem>>
    %dma_start3A_6 = arith.constant 0 : i32
    %dma_start3A_7 = arith.constant 0 : i32
    %dma_start3A_8 = tpu.memref_slice %arg2[%dma_start3A_6, %dma_start3A_7] : memref<10000x128xi32, #tpu.memory_space<hbm>> -> memref<10000x128xi32, #tpu.memory_space<hbm>>
    tpu.enqueue_indirect_dma source(%dma_start3A_8 : memref<10000x128xi32, #tpu.memory_space<hbm>>) target(%arg6 : memref<80x128xi32, #tpu.memory_space<vmem>>) offsets(%dma_start3A_5 : memref<80xi32, #tpu.memory_space<vmem>>) semaphore(%arg8 : memref<!tpu.dma_semaphore, #tpu.memory_space<semaphore_mem>>)
    %scan3A = arith.constant 0 : i32
    %scan3A_9 = arith.constant 0 : i32
    %scan3A_10 = arith.constant 124 : i32
    %scan3A_11 = arith.addi %scan3A_9, %scan3A_10 : i32
    %scan3A_12 = arith.constant 1 : i32
    scf.for %scan3A_20 = %scan3A_9 to %scan3A_11 step %scan3A_12  : i32 {
      %rem3A = arith.constant 2 : i32
      %rem3A_21 = arith.remsi %scan3A_20, %rem3A : i32
      %eq3A = arith.constant 0 : i32
      %eq3A_22 = arith.cmpi eq, %rem3A_21, %eq3A : i32
      %convert_element_type3A = arith.extui %eq3A_22 : i1 to i32
      %cond3A = arith.constant 0 : i32
      %cond3A_23 = arith.cmpi ne, %convert_element_type3A, %cond3A : i32
      scf.if %cond3A_23 {
        %add3A_31 = arith.constant 1 : i32
        %add3A_32 = arith.addi %scan3A_20, %add3A_31 : i32
        %mul3A_33 = arith.constant 80 : i32
        %mul3A_34 = arith.muli %add3A_32, %mul3A_33 : i32
        %dma_start3A_35 = tpu.memref_slice %arg5[%mul3A_34] : memref<10000xi32, #tpu.memory_space<vmem>> -> memref<80xi32, #tpu.memory_space<vmem>>
        %dma_start3A_36 = arith.constant 0 : i32
        %dma_start3A_37 = arith.constant 0 : i32
        %dma_start3A_38 = tpu.memref_slice %arg2[%dma_start3A_36, %dma_start3A_37] : memref<10000x128xi32, #tpu.memory_space<hbm>> -> memref<10000x128xi32, #tpu.memory_space<hbm>>
        tpu.enqueue_indirect_dma source(%dma_start3A_38 : memref<10000x128xi32, #tpu.memory_space<hbm>>) target(%arg7 : memref<80x128xi32, #tpu.memory_space<vmem>>) offsets(%dma_start3A_35 : memref<80xi32, #tpu.memory_space<vmem>>) semaphore(%arg9 : memref<!tpu.dma_semaphore, #tpu.memory_space<semaphore_mem>>)
        %mul3A_39 = arith.constant 80 : i32
        %mul3A_40 = arith.muli %scan3A_20, %mul3A_39 : i32
        %dma_wait3A_41 = tpu.memref_slice %arg5[%mul3A_40] : memref<10000xi32, #tpu.memory_space<vmem>> -> memref<80xi32, #tpu.memory_space<vmem>>
        %dma_wait3A_42 = arith.constant 0 : i32
        %dma_wait3A_43 = arith.constant 0 : i32
        %dma_wait3A_44 = tpu.memref_slice %arg2[%dma_wait3A_42, %dma_wait3A_43] : memref<10000x128xi32, #tpu.memory_space<hbm>> -> memref<10000x128xi32, #tpu.memory_space<hbm>>
        tpu.wait_indirect_dma semaphore(%arg8 : memref<!tpu.dma_semaphore, #tpu.memory_space<semaphore_mem>>) src(%dma_wait3A_44 : memref<10000x128xi32, #tpu.memory_space<hbm>>) dst(%arg6 : memref<80x128xi32, #tpu.memory_space<vmem>>)
        %mul3A_45 = arith.constant 80 : i32
        %mul3A_46 = arith.muli %scan3A_20, %mul3A_45 : i32
        %add3A_47 = arith.addi %mul3A_2, %mul3A_46 : i32
        "tpu.region"() ({
          %run_scoped3A = tpu.sem_alloc : memref<!tpu.dma_semaphore, #tpu.memory_space<semaphore_mem>>
          %dma_start3A_48 = arith.constant 0 : i32
          %dma_start3A_49 = tpu.memref_slice %arg4[%add3A_47, %dma_start3A_48] : memref<320000x128xi32, #tpu.memory_space<hbm>> -> memref<80x128xi32, #tpu.memory_space<hbm>>
          %dma_start3A_50 = arith.constant 0 : i32
          %dma_start3A_51 = tpu.memref_slice %arg4[%add3A_47, %dma_start3A_50] : memref<320000x128xi32, #tpu.memory_space<hbm>> -> memref<80x128xi32, #tpu.memory_space<hbm>>
          tpu.enqueue_dma source(%arg6 : memref<80x128xi32, #tpu.memory_space<vmem>>) target(%dma_start3A_51 : memref<80x128xi32, #tpu.memory_space<hbm>>) target_semaphore(%run_scoped3A : memref<!tpu.dma_semaphore, #tpu.memory_space<semaphore_mem>>)
          %dma_wait3A_52 = arith.constant 0 : i32
          %dma_wait3A_53 = tpu.memref_slice %arg4[%add3A_47, %dma_wait3A_52] : memref<320000x128xi32, #tpu.memory_space<hbm>> -> memref<80x128xi32, #tpu.memory_space<hbm>>
          %dma_wait3A_54 = arith.constant 0 : i32
          %dma_wait3A_55 = tpu.memref_slice %arg4[%add3A_47, %dma_wait3A_54] : memref<320000x128xi32, #tpu.memory_space<hbm>> -> memref<80x128xi32, #tpu.memory_space<hbm>>
          tpu.wait_dma2 semaphore(%run_scoped3A : memref<!tpu.dma_semaphore, #tpu.memory_space<semaphore_mem>>) src(%arg6 : memref<80x128xi32, #tpu.memory_space<vmem>>) dst(%dma_wait3A_55 : memref<80x128xi32, #tpu.memory_space<hbm>>)
          tpu.yield
        }) : () -> ()
      } else {
      }
      %rem3A_24 = arith.constant 2 : i32
      %rem3A_25 = arith.remsi %scan3A_20, %rem3A_24 : i32
      %eq3A_26 = arith.constant 1 : i32
      %eq3A_27 = arith.cmpi eq, %rem3A_25, %eq3A_26 : i32
      %convert_element_type3A_28 = arith.extui %eq3A_27 : i1 to i32
      %cond3A_29 = arith.constant 0 : i32
      %cond3A_30 = arith.cmpi ne, %convert_element_type3A_28, %cond3A_29 : i32
      scf.if %cond3A_30 {
        %add3A_31 = arith.constant 1 : i32
        %add3A_32 = arith.addi %scan3A_20, %add3A_31 : i32
        %mul3A_33 = arith.constant 80 : i32
        %mul3A_34 = arith.muli %add3A_32, %mul3A_33 : i32
        %dma_start3A_35 = tpu.memref_slice %arg5[%mul3A_34] : memref<10000xi32, #tpu.memory_space<vmem>> -> memref<80xi32, #tpu.memory_space<vmem>>
        %dma_start3A_36 = arith.constant 0 : i32
        %dma_start3A_37 = arith.constant 0 : i32
        %dma_start3A_38 = tpu.memref_slice %arg2[%dma_start3A_36, %dma_start3A_37] : memref<10000x128xi32, #tpu.memory_space<hbm>> -> memref<10000x128xi32, #tpu.memory_space<hbm>>
        tpu.enqueue_indirect_dma source(%dma_start3A_38 : memref<10000x128xi32, #tpu.memory_space<hbm>>) target(%arg6 : memref<80x128xi32, #tpu.memory_space<vmem>>) offsets(%dma_start3A_35 : memref<80xi32, #tpu.memory_space<vmem>>) semaphore(%arg8 : memref<!tpu.dma_semaphore, #tpu.memory_space<semaphore_mem>>)
        %mul3A_39 = arith.constant 80 : i32
        %mul3A_40 = arith.muli %scan3A_20, %mul3A_39 : i32
        %dma_wait3A_41 = tpu.memref_slice %arg5[%mul3A_40] : memref<10000xi32, #tpu.memory_space<vmem>> -> memref<80xi32, #tpu.memory_space<vmem>>
        %dma_wait3A_42 = arith.constant 0 : i32
        %dma_wait3A_43 = arith.constant 0 : i32
        %dma_wait3A_44 = tpu.memref_slice %arg2[%dma_wait3A_42, %dma_wait3A_43] : memref<10000x128xi32, #tpu.memory_space<hbm>> -> memref<10000x128xi32, #tpu.memory_space<hbm>>
        tpu.wait_indirect_dma semaphore(%arg9 : memref<!tpu.dma_semaphore, #tpu.memory_space<semaphore_mem>>) src(%dma_wait3A_44 : memref<10000x128xi32, #tpu.memory_space<hbm>>) dst(%arg7 : memref<80x128xi32, #tpu.memory_space<vmem>>)
        %mul3A_45 = arith.constant 80 : i32
        %mul3A_46 = arith.muli %scan3A_20, %mul3A_45 : i32
        %add3A_47 = arith.addi %mul3A_2, %mul3A_46 : i32
        "tpu.region"() ({
          %run_scoped3A = tpu.sem_alloc : memref<!tpu.dma_semaphore, #tpu.memory_space<semaphore_mem>>
          %dma_start3A_48 = arith.constant 0 : i32
          %dma_start3A_49 = tpu.memref_slice %arg4[%add3A_47, %dma_start3A_48] : memref<320000x128xi32, #tpu.memory_space<hbm>> -> memref<80x128xi32, #tpu.memory_space<hbm>>
          %dma_start3A_50 = arith.constant 0 : i32
          %dma_start3A_51 = tpu.memref_slice %arg4[%add3A_47, %dma_start3A_50] : memref<320000x128xi32, #tpu.memory_space<hbm>> -> memref<80x128xi32, #tpu.memory_space<hbm>>
          tpu.enqueue_dma source(%arg7 : memref<80x128xi32, #tpu.memory_space<vmem>>) target(%dma_start3A_51 : memref<80x128xi32, #tpu.memory_space<hbm>>) target_semaphore(%run_scoped3A : memref<!tpu.dma_semaphore, #tpu.memory_space<semaphore_mem>>)
          %dma_wait3A_52 = arith.constant 0 : i32
          %dma_wait3A_53 = tpu.memref_slice %arg4[%add3A_47, %dma_wait3A_52] : memref<320000x128xi32, #tpu.memory_space<hbm>> -> memref<80x128xi32, #tpu.memory_space<hbm>>
          %dma_wait3A_54 = arith.constant 0 : i32
          %dma_wait3A_55 = tpu.memref_slice %arg4[%add3A_47, %dma_wait3A_54] : memref<320000x128xi32, #tpu.memory_space<hbm>> -> memref<80x128xi32, #tpu.memory_space<hbm>>
          tpu.wait_dma2 semaphore(%run_scoped3A : memref<!tpu.dma_semaphore, #tpu.memory_space<semaphore_mem>>) src(%arg7 : memref<80x128xi32, #tpu.memory_space<vmem>>) dst(%dma_wait3A_55 : memref<80x128xi32, #tpu.memory_space<hbm>>)
          tpu.yield
        }) : () -> ()
      } else {
      }
    }
    %scan3A_13 = arith.constant 124 : i32
    %dma_wait3A = arith.constant 9920 : i32
    %dma_wait3A_14 = tpu.memref_slice %arg5[%dma_wait3A] : memref<10000xi32, #tpu.memory_space<vmem>> -> memref<80xi32, #tpu.memory_space<vmem>>
    %dma_wait3A_15 = arith.constant 0 : i32
    %dma_wait3A_16 = arith.constant 0 : i32
    %dma_wait3A_17 = tpu.memref_slice %arg2[%dma_wait3A_15, %dma_wait3A_16] : memref<10000x128xi32, #tpu.memory_space<hbm>> -> memref<10000x128xi32, #tpu.memory_space<hbm>>
    tpu.wait_indirect_dma semaphore(%arg8 : memref<!tpu.dma_semaphore, #tpu.memory_space<semaphore_mem>>) src(%dma_wait3A_17 : memref<10000x128xi32, #tpu.memory_space<hbm>>) dst(%arg6 : memref<80x128xi32, #tpu.memory_space<vmem>>)
    %add3A_18 = arith.constant 9920 : i32
    %add3A_19 = arith.addi %mul3A_2, %add3A_18 : i32
    "tpu.region"() ({
      %run_scoped3A = tpu.sem_alloc : memref<!tpu.dma_semaphore, #tpu.memory_space<semaphore_mem>>
      %dma_start3A_20 = arith.constant 0 : i32
      %dma_start3A_21 = tpu.memref_slice %arg4[%add3A_19, %dma_start3A_20] : memref<320000x128xi32, #tpu.memory_space<hbm>> -> memref<80x128xi32, #tpu.memory_space<hbm>>
      %dma_start3A_22 = arith.constant 0 : i32
      %dma_start3A_23 = tpu.memref_slice %arg4[%add3A_19, %dma_start3A_22] : memref<320000x128xi32, #tpu.memory_space<hbm>> -> memref<80x128xi32, #tpu.memory_space<hbm>>
      tpu.enqueue_dma source(%arg6 : memref<80x128xi32, #tpu.memory_space<vmem>>) target(%dma_start3A_23 : memref<80x128xi32, #tpu.memory_space<hbm>>) target_semaphore(%run_scoped3A : memref<!tpu.dma_semaphore, #tpu.memory_space<semaphore_mem>>)
      %dma_wait3A_24 = arith.constant 0 : i32
      %dma_wait3A_25 = tpu.memref_slice %arg4[%add3A_19, %dma_wait3A_24] : memref<320000x128xi32, #tpu.memory_space<hbm>> -> memref<80x128xi32, #tpu.memory_space<hbm>>
      %dma_wait3A_26 = arith.constant 0 : i32
      %dma_wait3A_27 = tpu.memref_slice %arg4[%add3A_19, %dma_wait3A_26] : memref<320000x128xi32, #tpu.memory_space<hbm>> -> memref<80x128xi32, #tpu.memory_space<hbm>>
      tpu.wait_dma2 semaphore(%run_scoped3A : memref<!tpu.dma_semaphore, #tpu.memory_space<semaphore_mem>>) src(%arg6 : memref<80x128xi32, #tpu.memory_space<vmem>>) dst(%dma_wait3A_27 : memref<80x128xi32, #tpu.memory_space<hbm>>)
      tpu.yield
    }) : () -> ()
    return
  }
}

module attributes {stable_mosaic.version = 14 : i64} {
  func.func @_proj_body(%arg0: i32, %arg1: memref<1000x128xf32, #tpu.memory_space<vmem>>, %arg2: memref<128x256xf32, #tpu.memory_space<vmem>>, %arg3: memref<128x256xf32, #tpu.memory_space<vmem>>, %arg4: memref<1x256xf32, #tpu.memory_space<vmem>>, %arg5: memref<1000x256xf32, #tpu.memory_space<vmem>>, %arg6: memref<1000x128xi32, #tpu.memory_space<vmem>>) attributes {dimension_semantics = [#tpu.dimension_semantics<arbitrary>], iteration_bounds = array<i64: 10>, scalar_prefetch = 0 : i64, scratch_operands = 0 : i64, tpu.core_type = #tpu.core_type<tc>, window_params = [{transform_indices = @transform_0, window_bounds = array<i64: 1000, 128>}, {pipeline_mode = #tpu.pipeline_mode<synchronous>, transform_indices = @transform_1, window_bounds = array<i64: 128, 256>}, {pipeline_mode = #tpu.pipeline_mode<synchronous>, transform_indices = @transform_2, window_bounds = array<i64: 128, 256>}, {pipeline_mode = #tpu.pipeline_mode<synchronous>, transform_indices = @transform_3, window_bounds = array<i64: 1, 256>}, {transform_indices = @transform_4, window_bounds = array<i64: 1000, 256>}, {transform_indices = @transform_5, window_bounds = array<i64: 1000, 128>}]} {
    %get3A = arith.constant 0 : index
    %get3A_0 = arith.constant 0 : index
    %get3A_1 = vector.load %arg1[%get3A, %get3A_0] : memref<1000x128xf32, #tpu.memory_space<vmem>>, vector<1000x128xf32>
    %get3A_2 = arith.constant 0 : index
    %get3A_3 = arith.constant 0 : index
    %get3A_4 = vector.load %arg2[%get3A_2, %get3A_3] : memref<128x256xf32, #tpu.memory_space<vmem>>, vector<128x256xf32>
    %dot_general3A = arith.constant dense<0.000000e+00> : vector<1000x256xf32>
    %dot_general3A_5 = tpu.matmul %get3A_1, %get3A_4, %dot_general3A {dimension_numbers = #tpu.dot_dimension_numbers<[1], [0], [0], [1], [0, 0, 1, 1], [], []>, transpose_lhs_hint = false} : vector<1000x128xf32>, vector<128x256xf32>, vector<1000x256xf32> -> vector<1000x256xf32>
    %get3A_6 = arith.constant 0 : index
    %get3A_7 = arith.constant 0 : index
    %get3A_8 = vector.load %arg4[%get3A_6, %get3A_7] : memref<1x256xf32, #tpu.memory_space<vmem>>, vector<1x256xf32>
    %add3A = vector.broadcast %get3A_8 : vector<1x256xf32> to vector<1000x256xf32>
    %add3A_9 = arith.addf %dot_general3A_5, %add3A : vector<1000x256xf32>
    %swap3A = arith.constant 0 : index
    %swap3A_10 = arith.constant 0 : index
    %swap3A_11 = vector.load %arg5[%swap3A, %swap3A_10] : memref<1000x256xf32, #tpu.memory_space<vmem>>, vector<1000x256xf32>
    tpu.vector_store %arg5[%swap3A, %swap3A_10], %add3A_9 {strides = array<i32>} : memref<1000x256xf32, #tpu.memory_space<vmem>>, vector<1000x256xf32>,
    %get3A_12 = arith.constant 0 : index
    %get3A_13 = arith.constant 0 : index
    %get3A_14 = vector.load %arg3[%get3A_12, %get3A_13] : memref<128x256xf32, #tpu.memory_space<vmem>>, vector<128x256xf32>
    %dot_general3A_15 = arith.constant dense<0.000000e+00> : vector<1000x256xf32>
    %dot_general3A_16 = tpu.matmul %get3A_1, %get3A_14, %dot_general3A_15 {dimension_numbers = #tpu.dot_dimension_numbers<[1], [0], [0], [1], [0, 0, 1, 1], [], []>, transpose_lhs_hint = false} : vector<1000x128xf32>, vector<128x256xf32>, vector<1000x256xf32> -> vector<1000x256xf32>
    %slice3A = vector.extract_strided_slice %dot_general3A_16 {offsets = [0, 0], sizes = [1000, 128], strides = [1, 1]} : vector<1000x256xf32> to vector<1000x128xf32>
    %convert_element_type3A = arith.truncf %slice3A : vector<1000x128xf32> to vector<1000x128xbf16>
    %convert_element_type3A_17 = arith.extf %convert_element_type3A : vector<1000x128xbf16> to vector<1000x128xf32>
    %slice3A_18 = vector.extract_strided_slice %dot_general3A_16 {offsets = [0, 128], sizes = [1000, 128], strides = [1, 1]} : vector<1000x256xf32> to vector<1000x128xf32>
    %convert_element_type3A_19 = arith.truncf %slice3A_18 : vector<1000x128xf32> to vector<1000x128xbf16>
    %convert_element_type3A_20 = arith.extf %convert_element_type3A_19 : vector<1000x128xbf16> to vector<1000x128xf32>
    %bitcast_convert_type3A = tpu.bitcast %convert_element_type3A_17 : vector<1000x128xf32> -> vector<1000x128xi32>
    %shift_right_logical3A = arith.constant 16 : i32
    %shift_right_logical3A_21 = vector.broadcast %shift_right_logical3A : i32 to vector<1000x128xi32>
    %shift_right_logical3A_22 = arith.shrui %bitcast_convert_type3A, %shift_right_logical3A_21 : vector<1000x128xi32>
    %bitcast_convert_type3A_23 = tpu.bitcast %convert_element_type3A_20 : vector<1000x128xf32> -> vector<1000x128xi32>
    %and3A = arith.constant -65536 : i32
    %and3A_24 = vector.broadcast %and3A : i32 to vector<1000x128xi32>
    %and3A_25 = arith.andi %bitcast_convert_type3A_23, %and3A_24 : vector<1000x128xi32>
    %or3A = arith.ori %and3A_25, %shift_right_logical3A_22 : vector<1000x128xi32>
    %bitcast_convert_type3A_26 = tpu.bitcast %or3A : vector<1000x128xi32> -> vector<1000x128xi32>
    %swap3A_27 = arith.constant 0 : index
    %swap3A_28 = arith.constant 0 : index
    %swap3A_29 = vector.load %arg6[%swap3A_27, %swap3A_28] : memref<1000x128xi32, #tpu.memory_space<vmem>>, vector<1000x128xi32>
    tpu.vector_store %arg6[%swap3A_27, %swap3A_28], %bitcast_convert_type3A_26 {strides = array<i32>} : memref<1000x128xi32, #tpu.memory_space<vmem>>, vector<1000x128xi32>,
    return
  }
  func.func @transform_0(%arg0: i32) -> (i32, i32) {
    %c0_i32 = arith.constant 0 : i32
    %c0_i32_0 = arith.constant 0 : i32
    return %arg0, %c0_i32 : i32, i32
  }
  func.func @transform_1(%arg0: i32) -> (i32, i32) {
    %c0_i32 = arith.constant 0 : i32
    %c0_i32_0 = arith.constant 0 : i32
    %c0_i32_1 = arith.constant 0 : i32
    return %c0_i32, %c0_i32_0 : i32, i32
  }
  func.func @transform_2(%arg0: i32) -> (i32, i32) {
    %c0_i32 = arith.constant 0 : i32
    %c0_i32_0 = arith.constant 0 : i32
    %c0_i32_1 = arith.constant 0 : i32
    return %c0_i32, %c0_i32_0 : i32, i32
  }
  func.func @transform_3(%arg0: i32) -> (i32, i32) {
    %c0_i32 = arith.constant 0 : i32
    %c0_i32_0 = arith.constant 0 : i32
    %c0_i32_1 = arith.constant 0 : i32
    return %c0_i32, %c0_i32_0 : i32, i32
  }
  func.func @transform_4(%arg0: i32) -> (i32, i32) {
    %c0_i32 = arith.constant 0 : i32
    %c0_i32_0 = arith.constant 0 : i32
    return %arg0, %c0_i32 : i32, i32
  }
  func.func @transform_5(%arg0: i32) -> (i32, i32) {
    %c0_i32 = arith.constant 0 : i32
    %c0_i32_0 = arith.constant 0 : i32
    return %arg0, %c0_i32 : i32, i32
  }
}

module attributes {stable_mosaic.version = 14 : i64} {
  func.func @_stats_body(%arg0: i32, %arg1: memref<6400x128xi32, #tpu.memory_space<vmem>>, %arg2: memref<6400x16xf32, #tpu.memory_space<vmem>>, %arg3: memref<200x256xf32, #tpu.memory_space<vmem>>, %arg4: memref<16x256xf32, #tpu.memory_space<vmem>>, %arg5: memref<1x4x128xf32, #tpu.memory_space<vmem>>) attributes {dimension_semantics = [#tpu.dimension_semantics<arbitrary>], iteration_bounds = array<i64: 50>, scalar_prefetch = 0 : i64, scratch_operands = 0 : i64, tpu.core_type = #tpu.core_type<tc>, window_params = [{transform_indices = @transform_0, window_bounds = array<i64: 6400, 128>}, {transform_indices = @transform_1, window_bounds = array<i64: 6400, 16>}, {transform_indices = @transform_2, window_bounds = array<i64: 200, 256>}, {pipeline_mode = #tpu.pipeline_mode<synchronous>, transform_indices = @transform_3, window_bounds = array<i64: 16, 256>}, {transform_indices = @transform_4, window_bounds = array<i64: 1, 4, 128>}]} {
    %get3A = arith.constant 0 : index
    %get3A_0 = arith.constant 0 : index
    %get3A_1 = vector.load %arg2[%get3A, %get3A_0] : memref<6400x16xf32, #tpu.memory_space<vmem>>, vector<6400x16xf32>
    %get3A_2 = arith.constant 0 : index
    %get3A_3 = arith.constant 0 : index
    %get3A_4 = vector.load %arg4[%get3A_2, %get3A_3] : memref<16x256xf32, #tpu.memory_space<vmem>>, vector<16x256xf32>
    %dot_general3A = arith.constant dense<0.000000e+00> : vector<6400x256xf32>
    %dot_general3A_5 = tpu.matmul %get3A_1, %get3A_4, %dot_general3A {dimension_numbers = #tpu.dot_dimension_numbers<[1], [0], [0], [1], [0, 0, 1, 1], [], []>, transpose_lhs_hint = false} : vector<6400x16xf32>, vector<16x256xf32>, vector<6400x256xf32> -> vector<6400x256xf32>
    %get3A_6 = arith.constant 0 : index
    %get3A_7 = arith.constant 0 : index
    %get3A_8 = vector.load %arg3[%get3A_6, %get3A_7] : memref<200x256xf32, #tpu.memory_space<vmem>>, vector<200x256xf32>
    %broadcast_in_dim3A = vector.shape_cast %get3A_8 : vector<200x256xf32> to vector<200x1x256xf32>
    %broadcast_in_dim3A_9 = vector.shape_cast %broadcast_in_dim3A : vector<200x1x256xf32> to vector<200x1x256xf32>
    %broadcast_in_dim3A_10 = vector.broadcast %broadcast_in_dim3A_9 : vector<200x1x256xf32> to vector<200x32x256xf32>
    %reshape3A = vector.shape_cast %broadcast_in_dim3A_10 : vector<200x32x256xf32> to vector<6400x256xf32>
    %get3A_11 = arith.constant 0 : index
    %get3A_12 = arith.constant 0 : index
    %get3A_13 = vector.load %arg1[%get3A_11, %get3A_12] : memref<6400x128xi32, #tpu.memory_space<vmem>>, vector<6400x128xi32>
    %bitcast_convert_type3A = tpu.bitcast %get3A_13 : vector<6400x128xi32> -> vector<6400x128xi32>
    %shift_left3A = arith.constant 16 : i32
    %shift_left3A_14 = vector.broadcast %shift_left3A : i32 to vector<6400x128xi32>
    %shift_left3A_15 = arith.shli %bitcast_convert_type3A, %shift_left3A_14 : vector<6400x128xi32>
    %bitcast_convert_type3A_16 = tpu.bitcast %shift_left3A_15 : vector<6400x128xi32> -> vector<6400x128xf32>
    %and3A = arith.constant -65536 : i32
    %and3A_17 = vector.broadcast %and3A : i32 to vector<6400x128xi32>
    %and3A_18 = arith.andi %bitcast_convert_type3A, %and3A_17 : vector<6400x128xi32>
    %bitcast_convert_type3A_19 = tpu.bitcast %and3A_18 : vector<6400x128xi32> -> vector<6400x128xf32>
    %slice3A = vector.extract_strided_slice %dot_general3A_5 {offsets = [0, 0], sizes = [6400, 128], strides = [1, 1]} : vector<6400x256xf32> to vector<6400x128xf32>
    %add3A = arith.addf %bitcast_convert_type3A_16, %slice3A : vector<6400x128xf32>
    %slice3A_20 = vector.extract_strided_slice %reshape3A {offsets = [0, 0], sizes = [6400, 128], strides = [1, 1]} : vector<6400x256xf32> to vector<6400x128xf32>
    %add3A_21 = arith.addf %add3A, %slice3A_20 : vector<6400x128xf32>
    %slice3A_22 = vector.extract_strided_slice %dot_general3A_5 {offsets = [0, 128], sizes = [6400, 128], strides = [1, 1]} : vector<6400x256xf32> to vector<6400x128xf32>
    %add3A_23 = arith.addf %bitcast_convert_type3A_19, %slice3A_22 : vector<6400x128xf32>
    %slice3A_24 = vector.extract_strided_slice %reshape3A {offsets = [0, 128], sizes = [6400, 128], strides = [1, 1]} : vector<6400x256xf32> to vector<6400x128xf32>
    %add3A_25 = arith.addf %add3A_23, %slice3A_24 : vector<6400x128xf32>
    %reduce_sum3A = arith.constant dense<0.000000e+00> : vector<128xf32>
    %reduce_sum3A_26 = vector.multi_reduction <add>, %add3A_21, %reduce_sum3A [0] : vector<6400x128xf32> to vector<128xf32>
    %swap3A = arith.constant 0 : index
    %swap3A_27 = arith.constant 0 : index
    %swap3A_28 = arith.constant 0 : index
    %swap3A_29 = vector.load %arg5[%swap3A, %swap3A_27, %swap3A_28] : memref<1x4x128xf32, #tpu.memory_space<vmem>>, vector<1x1x128xf32>
    %swap3A_30 = vector.shape_cast %swap3A_29 : vector<1x1x128xf32> to vector<128xf32>
    %swap3A_31 = vector.shape_cast %reduce_sum3A_26 : vector<128xf32> to vector<1x1x128xf32>
    tpu.vector_store %arg5[%swap3A, %swap3A_27, %swap3A_28], %swap3A_31 {strides = array<i32>} : memref<1x4x128xf32, #tpu.memory_space<vmem>>, vector<1x1x128xf32>,
    %reduce_sum3A_32 = arith.constant dense<0.000000e+00> : vector<128xf32>
    %reduce_sum3A_33 = vector.multi_reduction <add>, %add3A_25, %reduce_sum3A_32 [0] : vector<6400x128xf32> to vector<128xf32>
    %swap3A_34 = arith.constant 0 : index
    %swap3A_35 = arith.constant 1 : index
    %swap3A_36 = arith.constant 0 : index
    %swap3A_37 = vector.load %arg5[%swap3A_34, %swap3A_35, %swap3A_36] : memref<1x4x128xf32, #tpu.memory_space<vmem>>, vector<1x1x128xf32>
    %swap3A_38 = vector.shape_cast %swap3A_37 : vector<1x1x128xf32> to vector<128xf32>
    %swap3A_39 = vector.shape_cast %reduce_sum3A_33 : vector<128xf32> to vector<1x1x128xf32>
    tpu.vector_store %arg5[%swap3A_34, %swap3A_35, %swap3A_36], %swap3A_39 {strides = array<i32>} : memref<1x4x128xf32, #tpu.memory_space<vmem>>, vector<1x1x128xf32>,
    %mul3A = arith.mulf %add3A_21, %add3A_21 : vector<6400x128xf32>
    %reduce_sum3A_40 = arith.constant dense<0.000000e+00> : vector<128xf32>
    %reduce_sum3A_41 = vector.multi_reduction <add>, %mul3A, %reduce_sum3A_40 [0] : vector<6400x128xf32> to vector<128xf32>
    %swap3A_42 = arith.constant 0 : index
    %swap3A_43 = arith.constant 2 : index
    %swap3A_44 = arith.constant 0 : index
    %swap3A_45 = vector.load %arg5[%swap3A_42, %swap3A_43, %swap3A_44] : memref<1x4x128xf32, #tpu.memory_space<vmem>>, vector<1x1x128xf32>
    %swap3A_46 = vector.shape_cast %swap3A_45 : vector<1x1x128xf32> to vector<128xf32>
    %swap3A_47 = vector.shape_cast %reduce_sum3A_41 : vector<128xf32> to vector<1x1x128xf32>
    tpu.vector_store %arg5[%swap3A_42, %swap3A_43, %swap3A_44], %swap3A_47 {strides = array<i32>} : memref<1x4x128xf32, #tpu.memory_space<vmem>>, vector<1x1x128xf32>,
    %mul3A_48 = arith.mulf %add3A_25, %add3A_25 : vector<6400x128xf32>
    %reduce_sum3A_49 = arith.constant dense<0.000000e+00> : vector<128xf32>
    %reduce_sum3A_50 = vector.multi_reduction <add>, %mul3A_48, %reduce_sum3A_49 [0] : vector<6400x128xf32> to vector<128xf32>
    %swap3A_51 = arith.constant 0 : index
    %swap3A_52 = arith.constant 3 : index
    %swap3A_53 = arith.constant 0 : index
    %swap3A_54 = vector.load %arg5[%swap3A_51, %swap3A_52, %swap3A_53] : memref<1x4x128xf32, #tpu.memory_space<vmem>>, vector<1x1x128xf32>
    %swap3A_55 = vector.shape_cast %swap3A_54 : vector<1x1x128xf32> to vector<128xf32>
    %swap3A_56 = vector.shape_cast %reduce_sum3A_50 : vector<128xf32> to vector<1x1x128xf32>
    tpu.vector_store %arg5[%swap3A_51, %swap3A_52, %swap3A_53], %swap3A_56 {strides = array<i32>} : memref<1x4x128xf32, #tpu.memory_space<vmem>>, vector<1x1x128xf32>,
    return
  }
  func.func @transform_0(%arg0: i32) -> (i32, i32) {
    %c0_i32 = arith.constant 0 : i32
    %c0_i32_0 = arith.constant 0 : i32
    return %arg0, %c0_i32 : i32, i32
  }
  func.func @transform_1(%arg0: i32) -> (i32, i32) {
    %add3A = arith.constant 0 : i32
    %add3A_0 = arith.addi %arg0, %add3A : i32
    %c0_i32 = arith.constant 0 : i32
    %c0_i32_1 = arith.constant 0 : i32
    return %add3A_0, %c0_i32 : i32, i32
  }
  func.func @transform_2(%arg0: i32) -> (i32, i32) {
    %add3A = arith.constant 0 : i32
    %add3A_0 = arith.addi %arg0, %add3A : i32
    %c0_i32 = arith.constant 0 : i32
    %c0_i32_1 = arith.constant 0 : i32
    return %add3A_0, %c0_i32 : i32, i32
  }
  func.func @transform_3(%arg0: i32) -> (i32, i32) {
    %c0_i32 = arith.constant 0 : i32
    %c0_i32_0 = arith.constant 0 : i32
    %c0_i32_1 = arith.constant 0 : i32
    return %c0_i32, %c0_i32_0 : i32, i32
  }
  func.func @transform_4(%arg0: i32) -> (i32, i32, i32) {
    %c0_i32 = arith.constant 0 : i32
    %c0_i32_0 = arith.constant 0 : i32
    %c0_i32_1 = arith.constant 0 : i32
    return %arg0, %c0_i32, %c0_i32_0 : i32, i32, i32
  }
}

module attributes {stable_mosaic.version = 14 : i64} {
  func.func @_apply_body(%arg0: i32, %arg1: memref<6400x128xi32, #tpu.memory_space<vmem>>, %arg2: memref<6400x16xf32, #tpu.memory_space<vmem>>, %arg3: memref<200x256xf32, #tpu.memory_space<vmem>>, %arg4: memref<16x256xf32, #tpu.memory_space<vmem>>, %arg5: memref<1x256xf32, #tpu.memory_space<vmem>>, %arg6: memref<1x256xf32, #tpu.memory_space<vmem>>, %arg7: memref<200x128xf32, #tpu.memory_space<vmem>>, %arg8: memref<1x2x128xf32, #tpu.memory_space<vmem>>) attributes {dimension_semantics = [#tpu.dimension_semantics<arbitrary>], iteration_bounds = array<i64: 50>, scalar_prefetch = 0 : i64, scratch_operands = 0 : i64, tpu.core_type = #tpu.core_type<tc>, window_params = [{transform_indices = @transform_0, window_bounds = array<i64: 6400, 128>}, {transform_indices = @transform_1, window_bounds = array<i64: 6400, 16>}, {transform_indices = @transform_2, window_bounds = array<i64: 200, 256>}, {pipeline_mode = #tpu.pipeline_mode<synchronous>, transform_indices = @transform_3, window_bounds = array<i64: 16, 256>}, {pipeline_mode = #tpu.pipeline_mode<synchronous>, transform_indices = @transform_4, window_bounds = array<i64: 1, 256>}, {pipeline_mode = #tpu.pipeline_mode<synchronous>, transform_indices = @transform_5, window_bounds = array<i64: 1, 256>}, {transform_indices = @transform_6, window_bounds = array<i64: 200, 128>}, {transform_indices = @transform_7, window_bounds = array<i64: 1, 2, 128>}]} {
    %get3A = arith.constant 0 : index
    %get3A_0 = arith.constant 0 : index
    %get3A_1 = vector.load %arg2[%get3A, %get3A_0] : memref<6400x16xf32, #tpu.memory_space<vmem>>, vector<6400x16xf32>
    %get3A_2 = arith.constant 0 : index
    %get3A_3 = arith.constant 0 : index
    %get3A_4 = vector.load %arg4[%get3A_2, %get3A_3] : memref<16x256xf32, #tpu.memory_space<vmem>>, vector<16x256xf32>
    %dot_general3A = arith.constant dense<0.000000e+00> : vector<6400x256xf32>
    %dot_general3A_5 = tpu.matmul %get3A_1, %get3A_4, %dot_general3A {dimension_numbers = #tpu.dot_dimension_numbers<[1], [0], [0], [1], [0, 0, 1, 1], [], []>, transpose_lhs_hint = false} : vector<6400x16xf32>, vector<16x256xf32>, vector<6400x256xf32> -> vector<6400x256xf32>
    %get3A_6 = arith.constant 0 : index
    %get3A_7 = arith.constant 0 : index
    %get3A_8 = vector.load %arg3[%get3A_6, %get3A_7] : memref<200x256xf32, #tpu.memory_space<vmem>>, vector<200x256xf32>
    %broadcast_in_dim3A = vector.shape_cast %get3A_8 : vector<200x256xf32> to vector<200x1x256xf32>
    %broadcast_in_dim3A_9 = vector.shape_cast %broadcast_in_dim3A : vector<200x1x256xf32> to vector<200x1x256xf32>
    %broadcast_in_dim3A_10 = vector.broadcast %broadcast_in_dim3A_9 : vector<200x1x256xf32> to vector<200x32x256xf32>
    %reshape3A = vector.shape_cast %broadcast_in_dim3A_10 : vector<200x32x256xf32> to vector<6400x256xf32>
    %get3A_11 = arith.constant 0 : index
    %get3A_12 = arith.constant 0 : index
    %get3A_13 = vector.load %arg1[%get3A_11, %get3A_12] : memref<6400x128xi32, #tpu.memory_space<vmem>>, vector<6400x128xi32>
    %bitcast_convert_type3A = tpu.bitcast %get3A_13 : vector<6400x128xi32> -> vector<6400x128xi32>
    %shift_left3A = arith.constant 16 : i32
    %shift_left3A_14 = vector.broadcast %shift_left3A : i32 to vector<6400x128xi32>
    %shift_left3A_15 = arith.shli %bitcast_convert_type3A, %shift_left3A_14 : vector<6400x128xi32>
    %bitcast_convert_type3A_16 = tpu.bitcast %shift_left3A_15 : vector<6400x128xi32> -> vector<6400x128xf32>
    %and3A = arith.constant -65536 : i32
    %and3A_17 = vector.broadcast %and3A : i32 to vector<6400x128xi32>
    %and3A_18 = arith.andi %bitcast_convert_type3A, %and3A_17 : vector<6400x128xi32>
    %bitcast_convert_type3A_19 = tpu.bitcast %and3A_18 : vector<6400x128xi32> -> vector<6400x128xf32>
    %slice3A = vector.extract_strided_slice %dot_general3A_5 {offsets = [0, 0], sizes = [6400, 128], strides = [1, 1]} : vector<6400x256xf32> to vector<6400x128xf32>
    %add3A = arith.addf %bitcast_convert_type3A_16, %slice3A : vector<6400x128xf32>
    %slice3A_20 = vector.extract_strided_slice %reshape3A {offsets = [0, 0], sizes = [6400, 128], strides = [1, 1]} : vector<6400x256xf32> to vector<6400x128xf32>
    %add3A_21 = arith.addf %add3A, %slice3A_20 : vector<6400x128xf32>
    %slice3A_22 = vector.extract_strided_slice %dot_general3A_5 {offsets = [0, 128], sizes = [6400, 128], strides = [1, 1]} : vector<6400x256xf32> to vector<6400x128xf32>
    %add3A_23 = arith.addf %bitcast_convert_type3A_19, %slice3A_22 : vector<6400x128xf32>
    %slice3A_24 = vector.extract_strided_slice %reshape3A {offsets = [0, 128], sizes = [6400, 128], strides = [1, 1]} : vector<6400x256xf32> to vector<6400x128xf32>
    %add3A_25 = arith.addf %add3A_23, %slice3A_24 : vector<6400x128xf32>
    %get3A_26 = arith.constant 0 : index
    %get3A_27 = arith.constant 0 : index
    %get3A_28 = vector.load %arg5[%get3A_26, %get3A_27] : memref<1x256xf32, #tpu.memory_space<vmem>>, vector<1x256xf32>
    %get3A_29 = arith.constant 0 : index
    %get3A_30 = arith.constant 0 : index
    %get3A_31 = vector.load %arg6[%get3A_29, %get3A_30] : memref<1x256xf32, #tpu.memory_space<vmem>>, vector<1x256xf32>
    %slice3A_32 = vector.extract_strided_slice %get3A_28 {offsets = [0, 0], sizes = [1, 128], strides = [1, 1]} : vector<1x256xf32> to vector<1x128xf32>
    %mul3A = vector.broadcast %slice3A_32 : vector<1x128xf32> to vector<6400x128xf32>
    %mul3A_33 = arith.mulf %add3A_21, %mul3A : vector<6400x128xf32>
    %slice3A_34 = vector.extract_strided_slice %get3A_31 {offsets = [0, 0], sizes = [1, 128], strides = [1, 1]} : vector<1x256xf32> to vector<1x128xf32>
    %add3A_35 = vector.broadcast %slice3A_34 : vector<1x128xf32> to vector<6400x128xf32>
    %add3A_36 = arith.addf %mul3A_33, %add3A_35 : vector<6400x128xf32>
    %slice3A_37 = vector.extract_strided_slice %get3A_28 {offsets = [0, 128], sizes = [1, 128], strides = [1, 1]} : vector<1x256xf32> to vector<1x128xf32>
    %mul3A_38 = vector.broadcast %slice3A_37 : vector<1x128xf32> to vector<6400x128xf32>
    %mul3A_39 = arith.mulf %add3A_25, %mul3A_38 : vector<6400x128xf32>
    %slice3A_40 = vector.extract_strided_slice %get3A_31 {offsets = [0, 128], sizes = [1, 128], strides = [1, 1]} : vector<1x256xf32> to vector<1x128xf32>
    %add3A_41 = vector.broadcast %slice3A_40 : vector<1x128xf32> to vector<6400x128xf32>
    %add3A_42 = arith.addf %mul3A_39, %add3A_41 : vector<6400x128xf32>
    %logistic3A = arith.negf %add3A_36 : vector<6400x128xf32>
    %logistic3A_43 = math.exp %logistic3A : vector<6400x128xf32>
    %logistic3A_44 = arith.constant 1.000000e+00 : f32
    %logistic3A_45 = vector.broadcast %logistic3A_44 : f32 to vector<6400x128xf32>
    %logistic3A_46 = arith.addf %logistic3A_45, %logistic3A_43 : vector<6400x128xf32>
    %logistic3A_47 = arith.divf %logistic3A_45, %logistic3A_46 : vector<6400x128xf32>
    %custom_jvp_call3A = arith.constant 0.000000e+00 : f32
    %max3A = vector.broadcast %custom_jvp_call3A : f32 to vector<6400x128xf32>
    %max3A_48 = arith.maximumf %add3A_42, %max3A : vector<6400x128xf32>
    %sub3A = vector.broadcast %custom_jvp_call3A : f32 to vector<6400x128xf32>
    %sub3A_49 = arith.subf %add3A_42, %sub3A : vector<6400x128xf32>
    %ne3A = arith.cmpf one, %sub3A_49, %sub3A_49 : vector<6400x128xf32>
    %add3A_50 = vector.broadcast %custom_jvp_call3A : f32 to vector<6400x128xf32>
    %add3A_51 = arith.addf %add3A_42, %add3A_50 : vector<6400x128xf32>
    %abs3A = math.absf %sub3A_49 : vector<6400x128xf32>
    %neg3A = arith.constant 0.000000e+00 : f32
    %neg3A_52 = vector.broadcast %neg3A : f32 to vector<6400x128xf32>
    %neg3A_53 = arith.subf %neg3A_52, %abs3A : vector<6400x128xf32>
    %exp3A = math.exp %neg3A_53 : vector<6400x128xf32>
    %log1p3A = math.log1p %exp3A : vector<6400x128xf32>
    %add3A_54 = arith.addf %max3A_48, %log1p3A : vector<6400x128xf32>
    %select_n3A = arith.select %ne3A, %add3A_51, %add3A_54 : vector<6400x128xi1>, vector<6400x128xf32>
    %mul3A_55 = arith.mulf %logistic3A_47, %select_n3A : vector<6400x128xf32>
    %reshape3A_56 = vector.shape_cast %mul3A_55 : vector<6400x128xf32> to vector<200x32x128xf32>
    %reduce_sum3A = arith.constant dense<0.000000e+00> : vector<200x128xf32>
    %reduce_sum3A_57 = vector.multi_reduction <add>, %reshape3A_56, %reduce_sum3A [1] : vector<200x32x128xf32> to vector<200x128xf32>
    %swap3A = arith.constant 0 : index
    %swap3A_58 = arith.constant 0 : index
    %swap3A_59 = vector.load %arg7[%swap3A, %swap3A_58] : memref<200x128xf32, #tpu.memory_space<vmem>>, vector<200x128xf32>
    tpu.vector_store %arg7[%swap3A, %swap3A_58], %reduce_sum3A_57 {strides = array<i32>} : memref<200x128xf32, #tpu.memory_space<vmem>>, vector<200x128xf32>,
    %reduce_sum3A_60 = arith.constant dense<0.000000e+00> : vector<128xf32>
    %reduce_sum3A_61 = vector.multi_reduction <add>, %reduce_sum3A_57, %reduce_sum3A_60 [0] : vector<200x128xf32> to vector<128xf32>
    %swap3A_62 = arith.constant 0 : index
    %swap3A_63 = arith.constant 0 : index
    %swap3A_64 = arith.constant 0 : index
    %swap3A_65 = vector.load %arg8[%swap3A_62, %swap3A_63, %swap3A_64] : memref<1x2x128xf32, #tpu.memory_space<vmem>>, vector<1x1x128xf32>
    %swap3A_66 = vector.shape_cast %swap3A_65 : vector<1x1x128xf32> to vector<128xf32>
    %swap3A_67 = vector.shape_cast %reduce_sum3A_61 : vector<128xf32> to vector<1x1x128xf32>
    tpu.vector_store %arg8[%swap3A_62, %swap3A_63, %swap3A_64], %swap3A_67 {strides = array<i32>} : memref<1x2x128xf32, #tpu.memory_space<vmem>>, vector<1x1x128xf32>,
    %mul3A_68 = arith.mulf %reduce_sum3A_57, %reduce_sum3A_57 : vector<200x128xf32>
    %reduce_sum3A_69 = arith.constant dense<0.000000e+00> : vector<128xf32>
    %reduce_sum3A_70 = vector.multi_reduction <add>, %mul3A_68, %reduce_sum3A_69 [0] : vector<200x128xf32> to vector<128xf32>
    %swap3A_71 = arith.constant 0 : index
    %swap3A_72 = arith.constant 1 : index
    %swap3A_73 = arith.constant 0 : index
    %swap3A_74 = vector.load %arg8[%swap3A_71, %swap3A_72, %swap3A_73] : memref<1x2x128xf32, #tpu.memory_space<vmem>>, vector<1x1x128xf32>
    %swap3A_75 = vector.shape_cast %swap3A_74 : vector<1x1x128xf32> to vector<128xf32>
    %swap3A_76 = vector.shape_cast %reduce_sum3A_70 : vector<128xf32> to vector<1x1x128xf32>
    tpu.vector_store %arg8[%swap3A_71, %swap3A_72, %swap3A_73], %swap3A_76 {strides = array<i32>} : memref<1x2x128xf32, #tpu.memory_space<vmem>>, vector<1x1x128xf32>,
    return
  }
  func.func @transform_0(%arg0: i32) -> (i32, i32) {
    %c0_i32 = arith.constant 0 : i32
    %c0_i32_0 = arith.constant 0 : i32
    return %arg0, %c0_i32 : i32, i32
  }
  func.func @transform_1(%arg0: i32) -> (i32, i32) {
    %add3A = arith.constant 0 : i32
    %add3A_0 = arith.addi %arg0, %add3A : i32
    %c0_i32 = arith.constant 0 : i32
    %c0_i32_1 = arith.constant 0 : i32
    return %add3A_0, %c0_i32 : i32, i32
  }
  func.func @transform_2(%arg0: i32) -> (i32, i32) {
    %add3A = arith.constant 0 : i32
    %add3A_0 = arith.addi %arg0, %add3A : i32
    %c0_i32 = arith.constant 0 : i32
    %c0_i32_1 = arith.constant 0 : i32
    return %add3A_0, %c0_i32 : i32, i32
  }
  func.func @transform_3(%arg0: i32) -> (i32, i32) {
    %c0_i32 = arith.constant 0 : i32
    %c0_i32_0 = arith.constant 0 : i32
    %c0_i32_1 = arith.constant 0 : i32
    return %c0_i32, %c0_i32_0 : i32, i32
  }
  func.func @transform_4(%arg0: i32) -> (i32, i32) {
    %c0_i32 = arith.constant 0 : i32
    %c0_i32_0 = arith.constant 0 : i32
    %c0_i32_1 = arith.constant 0 : i32
    return %c0_i32, %c0_i32_0 : i32, i32
  }
  func.func @transform_5(%arg0: i32) -> (i32, i32) {
    %c0_i32 = arith.constant 0 : i32
    %c0_i32_0 = arith.constant 0 : i32
    %c0_i32_1 = arith.constant 0 : i32
    return %c0_i32, %c0_i32_0 : i32, i32
  }
  func.func @transform_6(%arg0: i32) -> (i32, i32) {
    %c0_i32 = arith.constant 0 : i32
    %c0_i32_0 = arith.constant 0 : i32
    return %arg0, %c0_i32 : i32, i32
  }
  func.func @transform_7(%arg0: i32) -> (i32, i32, i32) {
    %c0_i32 = arith.constant 0 : i32
    %c0_i32_0 = arith.constant 0 : i32
    %c0_i32_1 = arith.constant 0 : i32
    return %arg0, %c0_i32, %c0_i32_0 : i32, i32, i32
  }
}

module attributes {stable_mosaic.version = 14 : i64} {
  func.func @_final_body(%arg0: i32, %arg1: memref<1000x128xf32, #tpu.memory_space<vmem>>, %arg2: memref<1000x128xf32, #tpu.memory_space<vmem>>, %arg3: memref<1x128xf32, #tpu.memory_space<vmem>>, %arg4: memref<1x128xf32, #tpu.memory_space<vmem>>, %arg5: memref<1000x128xf32, #tpu.memory_space<vmem>>) attributes {dimension_semantics = [#tpu.dimension_semantics<arbitrary>], iteration_bounds = array<i64: 10>, scalar_prefetch = 0 : i64, scratch_operands = 0 : i64, tpu.core_type = #tpu.core_type<tc>, window_params = [{transform_indices = @transform_0, window_bounds = array<i64: 1000, 128>}, {transform_indices = @transform_1, window_bounds = array<i64: 1000, 128>}, {pipeline_mode = #tpu.pipeline_mode<synchronous>, transform_indices = @transform_2, window_bounds = array<i64: 1, 128>}, {pipeline_mode = #tpu.pipeline_mode<synchronous>, transform_indices = @transform_3, window_bounds = array<i64: 1, 128>}, {transform_indices = @transform_4, window_bounds = array<i64: 1000, 128>}]} {
    %get3A = arith.constant 0 : index
    %get3A_0 = arith.constant 0 : index
    %get3A_1 = vector.load %arg1[%get3A, %get3A_0] : memref<1000x128xf32, #tpu.memory_space<vmem>>, vector<1000x128xf32>
    %get3A_2 = arith.constant 0 : index
    %get3A_3 = arith.constant 0 : index
    %get3A_4 = vector.load %arg2[%get3A_2, %get3A_3] : memref<1000x128xf32, #tpu.memory_space<vmem>>, vector<1000x128xf32>
    %get3A_5 = arith.constant 0 : index
    %get3A_6 = arith.constant 0 : index
    %get3A_7 = vector.load %arg3[%get3A_5, %get3A_6] : memref<1x128xf32, #tpu.memory_space<vmem>>, vector<1x128xf32>
    %mul3A = vector.broadcast %get3A_7 : vector<1x128xf32> to vector<1000x128xf32>
    %mul3A_8 = arith.mulf %get3A_4, %mul3A : vector<1000x128xf32>
    %add3A = arith.addf %get3A_1, %mul3A_8 : vector<1000x128xf32>
    %get3A_9 = arith.constant 0 : index
    %get3A_10 = arith.constant 0 : index
    %get3A_11 = vector.load %arg4[%get3A_9, %get3A_10] : memref<1x128xf32, #tpu.memory_space<vmem>>, vector<1x128xf32>
    %add3A_12 = vector.broadcast %get3A_11 : vector<1x128xf32> to vector<1000x128xf32>
    %add3A_13 = arith.addf %add3A, %add3A_12 : vector<1000x128xf32>
    %custom_jvp_call3A = arith.constant 0.000000e+00 : f32
    %max3A = vector.broadcast %custom_jvp_call3A : f32 to vector<1000x128xf32>
    %max3A_14 = arith.maximumf %add3A_13, %max3A : vector<1000x128xf32>
    %sub3A = vector.broadcast %custom_jvp_call3A : f32 to vector<1000x128xf32>
    %sub3A_15 = arith.subf %add3A_13, %sub3A : vector<1000x128xf32>
    %ne3A = arith.cmpf one, %sub3A_15, %sub3A_15 : vector<1000x128xf32>
    %add3A_16 = vector.broadcast %custom_jvp_call3A : f32 to vector<1000x128xf32>
    %add3A_17 = arith.addf %add3A_13, %add3A_16 : vector<1000x128xf32>
    %abs3A = math.absf %sub3A_15 : vector<1000x128xf32>
    %neg3A = arith.constant 0.000000e+00 : f32
    %neg3A_18 = vector.broadcast %neg3A : f32 to vector<1000x128xf32>
    %neg3A_19 = arith.subf %neg3A_18, %abs3A : vector<1000x128xf32>
    %exp3A = math.exp %neg3A_19 : vector<1000x128xf32>
    %log1p3A = math.log1p %exp3A : vector<1000x128xf32>
    %add3A_20 = arith.addf %max3A_14, %log1p3A : vector<1000x128xf32>
    %select_n3A = arith.select %ne3A, %add3A_17, %add3A_20 : vector<1000x128xi1>, vector<1000x128xf32>
    %swap3A = arith.constant 0 : index
    %swap3A_21 = arith.constant 0 : index
    %swap3A_22 = vector.load %arg5[%swap3A, %swap3A_21] : memref<1000x128xf32, #tpu.memory_space<vmem>>, vector<1000x128xf32>
    tpu.vector_store %arg5[%swap3A, %swap3A_21], %select_n3A {strides = array<i32>} : memref<1000x128xf32, #tpu.memory_space<vmem>>, vector<1000x128xf32>,
    return
  }
  func.func @transform_0(%arg0: i32) -> (i32, i32) {
    %c0_i32 = arith.constant 0 : i32
    %c0_i32_0 = arith.constant 0 : i32
    return %arg0, %c0_i32 : i32, i32
  }
  func.func @transform_1(%arg0: i32) -> (i32, i32) {
    %c0_i32 = arith.constant 0 : i32
    %c0_i32_0 = arith.constant 0 : i32
    return %arg0, %c0_i32 : i32, i32
  }
  func.func @transform_2(%arg0: i32) -> (i32, i32) {
    %c0_i32 = arith.constant 0 : i32
    %c0_i32_0 = arith.constant 0 : i32
    %c0_i32_1 = arith.constant 0 : i32
    return %c0_i32, %c0_i32_0 : i32, i32
  }
  func.func @transform_3(%arg0: i32) -> (i32, i32) {
    %c0_i32 = arith.constant 0 : i32
    %c0_i32_0 = arith.constant 0 : i32
    %c0_i32_1 = arith.constant 0 : i32
    return %c0_i32, %c0_i32_0 : i32, i32
  }
  func.func @transform_4(%arg0: i32) -> (i32, i32) {
    %c0_i32 = arith.constant 0 : i32
    %c0_i32_0 = arith.constant 0 : i32
    return %arg0, %c0_i32 : i32, i32
  }
}

</mosaic_0001>

<sc_bundles>
// kernel: kernel.7.cloned.1.call-start
scs
__scs_entry_jumppad:
0x0: {  	(pc) =	sbr.rel $0x88, $3  }
0x1: {  	(tag) =	ssettag $0x0;
	lr =	simm.s32 $0x1  }
0x2: {  	[smem:$0x3F98] =	sst lr;
	_ =	strace $0xD0000000  }
0x3: {  	_ = 	snop  }
0x4: {  	_ = 	snop  }
0x5: {  	_ = 	snop  }
0x6: {  	_ = 	snop  }
0x7: {  	_ = 	snop  }
__scs_overlays_trampoline_lowered:
0x8: {  	[smem:$0x3FA7] =	sst s0  }
0x9: {  	[smem:$0x3FA8] =	sst s1  }
0xa: {  	[smem:$0x3FA9] =	sst s2  }
0xb: {  	[smem:$0x3FAA] =	sst s3  }
0xc: {  	[smem:$0x3FAB] =	sst s4  }
0xd: {  	[smem:$0x3FAC] =	sst s5  }
0xe: {  	[smem:$0x3FAD] =	sst s6  }
0xf: {  	[smem:$0x3FAE] =	sst s7  }
0x10: {  	[smem:$0x3FAF] =	sst s8  }
0x11: {  	[smem:$0x3FB0] =	sst s9;
	s0 =	simm.s32 @!p0 $0x0  }
0x12: {  	s1 =	sld [smem:$0x3F96];
	s0 =	simm.s32 @p0 $0x1  }
0x13: {  	[smem:$0x3FB1] =	sst s0;
	s0 =	simm.s32 @!p1 $0x0  }
0x14: {  	s2 =	sld [smem:$0x3F95];
	s0 =	simm.s32 @p1 $0x1  }
0x15: {  	[smem:$0x3FB2] =	sst s0;
	s0 =	simm.s32 @!p2 $0x0  }
0x16: {  	s3 =	sld [smem:$0x3FDB];
	s0 =	simm.s32 @p2 $0x1  }
0x17: {  	s4 =	simm.s32 $0x1BF5;
	[smem:$0x3FB4] =	sst s0  }
0x18: {  	s0 =	sld [smem:$0x3F97];
	_ =	swait.ge [sflag:s4], $0x0  }
0x19: {  	s7 =	sld [smem:$0x3F98]  }
0x1a: {  	s8 =	sadd.s32 $0xFFFFE003, lr  }
0x1b: {  	s9 =	sadd.s32 $0xFFFFFEF7, lr;
	s5 =	simm.s32 $0xFFFFFFFF;
	p2 =	slt.u32 s8, $0xFFFFF086  }
0x1c: {  	p1 =	slt.u32 s9, $0xF7A;
	s5 =	simm.s32 @!p2 $0x0  }
0x1d: {  	s5 =	simm.s32 @p1 $0x1;
	p0 =	seq.s32 s7, s2  }
0x1e: {  	s7 =	smul.u32 @!p0 $0xF7A, s2;
	p2 =	seq.s32 @!p0 s5, $0x0  }
0x1f: {  	s9 =	smul.u32 $0xF7A, s1;
	s8 =	simm.s32 @!p0 $0x1BF5;
	p2 =	por !p2, p0  }
0x20: {  	[sflag:s8] =	ssyncset.s32 @!p0 $0xFFFFF086;
	s6 =	sadd.s32 @!p0 s3, s7;
	s7 =	simm.s32 @!p0 $0x108  }
0x21: {  	s3 =	sadd.s32 s3, s9;
	s6 =	sadd.s32 @!p0 $0x88, s6;
	s7 =	simm.s32 @p2 $0x1082  }
0x22: {  	[simem:s7], [sflag:s8] =	dma.local @!p0 [hbm:s6], $0xF7A  }
0x23: {  	s9 =	sor.u32 $0xD0000000, s2;
	s6 =	simm.s32 $0x108;
	_ =	swait.ge @!p0 [sflag:s8], $0x0  }
0x24: {  	s3 =	sadd.s32 $0x88, s3;
	s6 =	simm.s32 @!p1 $0x1082;
	[sflag:s4] =	ssyncset.s32 $0xFFFFF086  }
0x25: {  	[simem:s6], [sflag:s4] =	dma.local [hbm:s3], $0xF7A  }
0x26: {  	[smem:$0x3F98] =	sst s1;
	(tag) =	ssettag s2;
	_ =	strace s9  }
0x27: {  	s1 =	sld [smem:$0x3FA8]  }
0x28: {  	s2 =	sld [smem:$0x3FA9]  }
0x29: {  	s4 =	sld [smem:$0x3FAB]  }
0x2a: {  	p0 =	seq.s32 s5, $0x0;
	s5 =	sld [smem:$0x3FAC]  }
0x2b: {  	s6 =	sld [smem:$0x3FAD]  }
0x2c: {  	s7 =	sld [smem:$0x3FAE]  }
0x2d: {  	s3 =	simm.s32 $0x108;
	s8 =	sld [smem:$0x3FAF]  }
0x2e: {  	s3 =	simm.s32 @!p0 $0x1082;
	s9 =	sld [smem:$0x3FB0]  }
0x2f: {  	lr =	sadd.s32 s0, s3;
	s0 =	sld [smem:$0x3FA7]  }
0x30: {  	s3 =	sld [smem:$0x3FAA]  }
0x31: {  	[smem:$0x3FB3] =	sst s10  }
0x32: {  	s10 =	sld [smem:$0x3FB1];
	_ =	sdelay $0x3  }
0x33: {  	p0 =	seq.s32 s10, $0x1;
	s10 =	sld [smem:$0x3FB3];
	_ =	sdelay $0x3  }
0x34: {  	[smem:$0x3FB3] =	sst s10  }
0x35: {  	s10 =	sld [smem:$0x3FB2];
	_ =	sdelay $0x3  }
0x36: {  	p1 =	seq.s32 s10, $0x1;
	s10 =	sld [smem:$0x3FB3];
	_ =	sdelay $0x3  }
0x37: {  	[smem:$0x3FB3] =	sst s10  }
0x38: {  	s10 =	sld [smem:$0x3FB4]  }
0x39: {  	_ = 	snop;
	(pc) =	sbr.ind lr, $3  }
0x3a: {  	_ = 	snop  }
0x3b: {  	_ = 	snop  }
0x3c: {  	p2 =	seq.s32 s10, $0x1;
	s10 =	sld [smem:$0x3FB3]  }
0x3d: {  	_ =	shalt  }
0x3e: {  	_ =	shalt  }
0x3f: {  	_ =	shalt  }
0x40: {  	_ =	shalt  }
0x41: {  	_ =	shalt  }
0x42: {  	_ =	shalt  }
0x43: {  	_ =	shalt  }
0x44: {  	_ =	shalt  }
0x45: {  	_ =	shalt  }
0x46: {  	_ =	shalt  }
0x47: {  	_ =	shalt  }
0x48: {  	_ =	shalt  }
0x49: {  	_ =	shalt  }
0x4a: {  	_ =	shalt  }
0x4b: {  	_ =	shalt  }
0x4c: {  	_ =	shalt  }
0x4d: {  	_ =	shalt  }
0x4e: {  	_ =	shalt  }
0x4f: {  	_ =	shalt  }
0x50: {  	_ =	shalt  }
0x51: {  	_ =	shalt  }
0x52: {  	_ =	shalt  }
0x53: {  	_ =	shalt  }
0x54: {  	_ =	shalt  }
0x55: {  	_ =	shalt  }
0x56: {  	_ =	shalt  }
0x57: {  	_ =	shalt  }
0x58: {  	_ =	shalt  }
0x59: {  	_ =	shalt  }
0x5a: {  	_ =	shalt  }
0x5b: {  	_ =	shalt  }
0x5c: {  	_ =	shalt  }
0x5d: {  	_ =	shalt  }
0x5e: {  	_ =	shalt  }
0x5f: {  	_ =	shalt  }
0x60: {  	_ =	shalt  }
0x61: {  	_ =	shalt  }
0x62: {  	_ =	shalt  }
0x63: {  	_ =	shalt  }
0x64: {  	_ =	shalt  }
0x65: {  	_ =	shalt  }
0x66: {  	_ =	shalt  }
0x67: {  	_ =	shalt  }
0x68: {  	_ =	shalt  }
0x69: {  	_ =	shalt  }
0x6a: {  	_ =	shalt  }
0x6b: {  	_ =	shalt  }
0x6c: {  	_ =	shalt  }
0x6d: {  	_ =	shalt  }
0x6e: {  	_ =	shalt  }
0x6f: {  	_ =	shalt  }
0x70: {  	_ =	shalt  }
0x71: {  	_ =	shalt  }
0x72: {  	_ =	shalt  }
0x73: {  	_ =	shalt  }
0x74: {  	_ =	shalt  }
0x75: {  	_ =	shalt  }
0x76: {  	_ =	shalt  }
0x77: {  	_ =	shalt  }
0x78: {  	_ =	shalt  }
0x79: {  	_ =	shalt  }
0x7a: {  	_ =	shalt  }
0x7b: {  	_ =	shalt  }
0x7c: {  	_ =	shalt  }
0x7d: {  	_ =	shalt  }
0x7e: {  	_ =	shalt  }
0x7f: {  	_ =	shalt  }
0x80: {  	_ =	shalt  }
0x81: {  	_ =	shalt  }
0x82: {  	_ =	shalt  }
0x83: {  	_ =	shalt  }
0x84: {  	_ =	shalt  }
0x85: {  	_ =	shalt  }
0x86: {  	_ =	shalt  }
0x87: {  	_ =	shalt  }
.Lfunc_end0:
.L_simem_size_0:
called_computation_lowered:
.L_overlay_start_0:
0x88: {  	s2 =	sld [smem:$0x3FD9]  }
0x89: {  	s3 =	sld [smem:$0x3FFE];
	_ =	sdelay $0x1  }
0x8a: {  	s1 =	srdreg.scid  }
0x8b: {  	s0 =	sand.u32 $0x1, s1  }
0x8c: {  	s17 =	sshll.u32 s0, $0xA;
	s2 =	sadd.s32 s3, s2  }
0x8d: {  	s2 =	sadd.s32 s2, s17  }
0x8e: {  	[smem:$0x3FBF] =	sst s2  }
0x8f: {  	_ = 	snop  }
0x90: {  	s2 =	sld [smem:$0x3FD0];
	(tm) =	ssettm $0x1  }
0x91: {  	s18 =	sld [smem:$0x3FFB];
	_ =	sdelay $0x3  }
0x92: {  	_ =	strace s18  }
0x93: {  	s3 =	sld [smem:$0x3FFC];
	_ =	sdelay $0x3  }
0x94: {  	_ =	strace s3  }
0x95: {  	s3 =	sld [smem:$0x3FFD];
	_ =	sdelay $0x3  }
0x96: {  	_ =	strace s3  }
0x97: {  	_ =	strace $0x8FFFFFFF  }
0x98: {  	s19 =	sld [smem:$0x3FDB];
	_ =	sdelay $0x1  }
0x99: {  	s4 =	simm.s32 $_scs_section_size  }
0x9a: {  	s5 =	simm.s32 $_size__tile_overlayer_lowered;
	s6 =	simm.s32 $_tile_overlayer_lowered  }
0x9b: {  	s22 =	simm.s32 $0x1BFF;
	s21 =	sshll.u32 s6, $0x1;
	s3 =	sadd.s32 s4, s19  }
0x9c: {  	s7 =	simm.s32 $0x0;
	s20 =	sshll.u32 s5, $0x1;
	s5 =	sadd.s32 s21, s3  }
0x9d: {  	[timem:s7], [sflag:s22] =	dma.local [hbm:s5], s20  }
0x9e: {  	_ =	swait.ge [sflag:s22], s20  }
0x9f: {  	s4 =	ssub.s32 $0x0, s20;
	[sflag:s22] =	ssyncset.done $0x0  }
0xa0: {  	[sflag:s22] =	ssyncadd.s32 s4;
	_ =	sdelay $0x1  }
0xa1: {  	s23 =	simm.s32 $0x1B8B  }
0xa2: {  	_ =	swait.ge [sflag:s23], $0x1  }
0xa3: {  	[sflag:s23] =	ssyncset.done $0x0  }
0xa4: {  	s25 =	simm.s32 $0x1B8E;
	s24 =	sld [smem:$0x3FFE];
	[sflag:s23] =	ssyncadd.s32 $0xFFFFFFFF  }
0xa5: {  	s26 =	simm.s32 $execute0_lowered;
	[smem:$0x3FD2] =	sst s25  }
0xa6: {  	s5 =	sshll.u32 s26, $0x1;
	_ =	strace $0x80000046;
	[dreg:$0x1] =	wrdreg $0xFFFFFFFF  }
0xa7: {  	s28 =	simm.s32 $_size_execute0_lowered;
	s3 =	sadd.s32 s3, s5;
	[dreg:$0x0] =	wrdreg $0x0  }
0xa8: {  	s5 =	sshll.u32 s28, $0x1;
	[dreg:$0x2] =	wrdreg s3  }
0xa9: {  	[dreg:$0x3] =	wrdreg s5  }
0xaa: {  	[dreg:$0x4] =	wrdreg $0xC0  }
0xab: {  	_ =	task [dreg:s7], $0x5FFFF  }
0xac: {  	[dreg:$0x1] =	wrdreg $0xFFFFFFFF  }
0xad: {  	[dreg:$0x0] =	wrdreg $0x60  }
0xae: {  	[dreg:$0x2] =	wrdreg s2  }
0xaf: {  	[dreg:$0x3] =	wrdreg s24  }
0xb0: {  	[dreg:$0x4] =	wrdreg $0x9  }
0xb1: {  	_ =	task.clear_ibuf [dreg:s7], $0x5FFFF;
	_ =	strace $0x90000046  }
0xb2: {  	s29 =	simm.s32 $0x9;
	_ =	strace $0x80000048  }
0xb3: {  	_ =	swait.ge [sflag:s29], $0x1  }
0xb4: {  	[sflag:s29] =	ssyncadd.s32 $0xFFFFFFFF  }
0xb5: {  	_ =	strace $0x90000048  }
0xb6: {  	_ =	sfence  }
0xb7: {  	s30 =	sld [smem:$0x0];
	_ =	sdelay $0x2  }
0xb8: {  	s31 =	sshll.u32 s1, $0xD;
	s1 =	sshrl.u32 s1, $0x2  }
0xb9: {  	s3 =	sand.u32 $0x4000, s31;
	s1 =	sadd.s32 s1, s30  }
0xba: {  	s0 =	sor.u32 s3, s0;
	s1 =	sshll.u32 s1, $0x11  }
0xbb: {  	s0 =	sor.u32 s1, s0  }
0xbc: {  	s0 =	sadd.s32 $0x8F2B, s0  }
0xbd: {  	[sflag:s0] =	ssyncadd.remote.s32 $0x1  }
0xbe: {  	_ =	sfence.sel $0xFFFF  }
0xbf: {  	[dreg:$0x0] =	wrdreg $0xFFFFFFFF;
	(pc) =	sbr.abs _section_cstart, $3  }
0xc0: {  	[dreg:$0x1] =	wrdreg $0xFFFFFFFF  }
0xc1: {  	_ =	task.clear_ibuf [dreg:s7], $0x2FFFF;
	_ =	strace $0x9FFFFFFF  }
0xc2: {  	(tm) =	ssettm $0x7FFFFFFF  }
0xc3: {  	_ =	shalt  }
tec
execute0_lowered:
.L_overlay_start_1:
0x0: {  	(tag) =	ssettag $0x1  }
0x1: {  	s1 =	srdreg.scid;
	s2 =	rddreg [dreg:$0x0]  }
0x2: {  	s0 =	stileid.u32;
	s5 =	rddreg [dreg:$0x1];
	s3 =	simm.s32 $0x0  }
0x3: {  	s4 =	sand.u32 $0x1, s1;
	s28 =	sshll.u32 s0, $0x1;
	s10 =	smul.u32 $0x4E200, s0  }
0x4: {  	s1 =	rddreg [dreg:$0x2];
	s6 =	sor.u32 s4, s28;
	s11 =	smul.u32 $0x27100, s4  }
0x5: {  	[smem:$0x7FF] =	sst s3;
	s8 =	sadd.s32 $0x59400, s5;
	s7 =	smul.u32 $0x2710, s6  }
0x6: {  	_ =	strace $0x80000047;
	s29 =	ssub.s32 $0x2, s4;
	s6 =	smul.u32 $0x138800, s6  }
0x7: {  	s9 =	sshrl.u32 s29, $0x1;
	s31 =	sadd.s32 s10, s8;
	s10 =	simm.s32 $0x1  }
0x8: {  	s9 =	ssub.s32 s29, s9;
	s7 =	sshrl.u32 s7, $0x3;
	s6 =	sshrl.u32 s6, $0x3  }
0x9: {  	s7 =	sadd.s32 s7, s5;
	s30 =	sadd.s32 s8, s6;
	s6 =	smax.u32 s9, $0x1  }
0xa: {  	s8 =	simm.s32 $0x3;
	s9 =	simm.s32 $0x2780;
	s4 =	sadd.s32 $0x1400, s7  }
0xb: {  	s5 =	sadd.s32 $0x26C00, s30;
	s7 =	sadd.s32 s11, s31;
	s11 =	simm.s32 $0x0  }
.LBB2_1:
0xc: {  	[tilespmem:s3], [sflag:$0x3] =	stream.linear.gather [hbm4b:s4+s3], $0x2710, $0x38;
	[tilespmem:$0x7780] =	vst v63  }
0xd: {  	_ =	swait.ge [sflag:s8], $0x2710  }
0xe: {  	s13 =	sand.u32 $0x1, s3;
	[sflag:s8] =	ssyncset.done $0x0  }
0xf: {  	s12 =	simm.s32 $0x50;
	p0 =	seq.s32 s13, $0x1;
	[sflag:s8] =	ssyncadd.s32 $0xFFFFD8F0  }
0x10: {  	[tilespmem:s9], [sflag:$0x1] =	stream.indirect.gather [hbm4b:s2+s12], $0x80, s3, s12, $0xb8;
	[tilespmem:$0x7780] =	vst v63  }
0x11: {  	s13 =	simm.s32 @p0 $0x50;
	s14 =	simm.s32 @p0 $0x2780;
	s15 =	simm.s32 @p0 $0x2  }
0x12: {  	[tilespmem:s14], [sflag:$0x1] =	stream.indirect.gather @p0 [hbm4b:s2+s13], $0x80, s12, s13, $0xb8;
	[tilespmem:$0x7780] =	vst v63  }
0x13: {  	_ =	swait.ge @p0 [sflag:s15], $0x2800  }
0x14: {  	[sflag:s15] =	ssyncset.done @p0 $0x0  }
0x15: {  	s13 =	simm.s32 @p0 $0x0;
	s14 =	simm.s32 @p0 $0x4F80;
	[sflag:s15] =	ssyncadd.s32 @p0 $0xFFFFD800  }
0x16: {  	[hbm4b:s7+s13] =	stream.linear.scatter @p0 [tilespmem:s14], [sflag:$0x3], $0x2800, $0x38;
	[tilespmem:$0x7780] =	vst v63  }
0x17: {  	s16 =	simm.s32 @!p0 $0x1;
	s13 =	simm.s32 @!p0 $0x50;
	s14 =	simm.s32 @!p0 $0x4F80  }
0x18: {  	[tilespmem:s14], [sflag:$0x2] =	stream.indirect.gather @!p0 [hbm4b:s2+s13], $0x80, s12, s13, $0xb8;
	[tilespmem:$0x7780] =	vst v63  }
0x19: {  	s15 =	simm.s32 @!p0 $0x4;
	_ =	swait.ge @!p0 [sflag:s16], $0x2800  }
0x1a: {  	s31 =	simm.s32 $0x1;
	s15 =	simm.s32 @p0 $0x3;
	[sflag:s16] =	ssyncset.done @!p0 $0x0  }
0x1b: {  	s13 =	simm.s32 @!p0 $0x2780;
	[sflag:s16] =	ssyncadd.s32 @!p0 $0xFFFFD800;
	s16 =	simm.s32 @!p0 $0x0  }
0x1c: {  	[hbm4b:s7+s16] =	stream.linear.scatter @!p0 [tilespmem:s13], [sflag:$0x4], $0x2800, $0x38;
	[tilespmem:$0x7780] =	vst v63  }
0x1d: {  	s14 =	simm.s32 $0x2;
	s12 =	sand.u32 $0x1, s31;
	s13 =	simm.s32 $0xA0  }
0x1e: {  	p0 =	seq.s32 s12, $0x1;
	s12 =	sadd.s32 $0x500, s7;
	_ =	swait.ge [sflag:s15], $0x2800  }
.LBB2_2:
0x1f: {  	s16 =	simm.s32 @p0 $0x50;
	s17 =	simm.s32 @p0 $0x2780  }
0x20: {  	[sflag:s15] =	ssyncset.done $0x0;
	s18 =	smov.u32 s14;
	s19 =	smov.u32 s13  }
0x21: {  	s14 =	sadd.s32 $0x1, s14;
	s20 =	simm.s32 @p0 $0x2;
	[sflag:s15] =	ssyncadd.s32 $0xFFFFD800  }
0x22: {  	[tilespmem:s17], [sflag:$0x1] =	stream.indirect.gather @p0 [hbm4b:s2+s16], $0x80, s13, s16, $0xb8;
	[tilespmem:$0x7780] =	vst v63  }
0x23: {  	p1 =	sne.s32 s14, $0x7C;
	_ =	swait.ge @p0 [sflag:s20], $0x2800  }
0x24: {  	s13 =	sadd.s32 $0x50, s13;
	[sflag:s20] =	ssyncset.done @p0 $0x0  }
0x25: {  	s15 =	simm.s32 @p0 $0x0;
	s16 =	simm.s32 @p0 $0x4F80;
	[sflag:s20] =	ssyncadd.s32 @p0 $0xFFFFD800  }
0x26: {  	[hbm4b:s12+s15] =	stream.linear.scatter @p0 [tilespmem:s16], [sflag:$0x3], $0x2800, $0x38;
	[tilespmem:$0x7780] =	vst v63  }
0x27: {  	s17 =	simm.s32 @!p0 $0x1;
	s15 =	simm.s32 @!p0 $0x50;
	s16 =	simm.s32 @!p0 $0x4F80  }
0x28: {  	[tilespmem:s16], [sflag:$0x2] =	stream.indirect.gather @!p0 [hbm4b:s2+s15], $0x80, s19, s15, $0xb8;
	[tilespmem:$0x7780] =	vst v63  }
.Ltmp0:
0x29: {  	s16 =	sand.u32 $0x1, s18;
	_ =	swait.ge @!p0 [sflag:s17], $0x2800;
	(pc) =	sbr.rel @p1 .LBB2_2-.Ltmp0, $4  }
0x2a: {  	s18 =	simm.s32 @!p0 $0x2780;
	s15 =	simm.s32 @!p0 $0x4;
	[sflag:s17] =	ssyncset.done @!p0 $0x0  }
0x2b: {  	s15 =	simm.s32 @p0 $0x3;
	[sflag:s17] =	ssyncadd.s32 @!p0 $0xFFFFD800;
	s17 =	simm.s32 @!p0 $0x0  }
0x2c: {  	[hbm4b:s12+s17] =	stream.linear.scatter @!p0 [tilespmem:s18], [sflag:$0x4], $0x2800, $0x38;
	[tilespmem:$0x7780] =	vst v63  }
0x2d: {  	p0 =	seq.s32 s16, $0x1;
	s12 =	sadd.s32 $0x500, s12;
	_ =	swait.ge [sflag:s15], $0x2800  }
0x2e: {  	s14 =	simm.s32 @p0 $0x50;
	[sflag:s15] =	ssyncset.done $0x0  }
0x2f: {  	s16 =	simm.s32 @p0 $0x2780;
	s17 =	simm.s32 @p0 $0x2;
	[sflag:s15] =	ssyncadd.s32 $0xFFFFD800  }
0x30: {  	[tilespmem:s16], [sflag:$0x1] =	stream.indirect.gather @p0 [hbm4b:s2+s14], $0x80, s13, s14, $0xb8;
	[tilespmem:$0x7780] =	vst v63  }
0x31: {  	_ =	swait.ge @p0 [sflag:s17], $0x2800  }
0x32: {  	[sflag:s17] =	ssyncset.done @p0 $0x0  }
0x33: {  	s15 =	simm.s32 @p0 $0x4F80;
	s14 =	simm.s32 @p0 $0x0;
	[sflag:s17] =	ssyncadd.s32 @p0 $0xFFFFD800  }
0x34: {  	[hbm4b:s12+s14] =	stream.linear.scatter @p0 [tilespmem:s15], [sflag:$0x3], $0x2800, $0x38;
	[tilespmem:$0x7780] =	vst v63  }
0x35: {  	s16 =	simm.s32 @!p0 $0x1;
	s14 =	simm.s32 @!p0 $0x50;
	s15 =	simm.s32 @!p0 $0x4F80  }
0x36: {  	[tilespmem:s15], [sflag:$0x2] =	stream.indirect.gather @!p0 [hbm4b:s2+s14], $0x80, s13, s14, $0xb8;
	[tilespmem:$0x7780] =	vst v63  }
0x37: {  	_ =	swait.ge @!p0 [sflag:s16], $0x2800  }
0x38: {  	s13 =	simm.s32 @!p0 $0x2780;
	s14 =	simm.s32 @!p0 $0x4;
	[sflag:s16] =	ssyncset.done @!p0 $0x0  }
0x39: {  	s15 =	simm.s32 @!p0 $0x0;
	s14 =	simm.s32 @p0 $0x3;
	[sflag:s16] =	ssyncadd.s32 @!p0 $0xFFFFD800  }
0x3a: {  	[hbm4b:s12+s15] =	stream.linear.scatter @!p0 [tilespmem:s13], [sflag:$0x4], $0x2800, $0x38;
	[tilespmem:$0x7780] =	vst v63  }
0x3b: {  	_ =	swait.ge [sflag:s14], $0x2800  }
0x3c: {  	[sflag:s14] =	ssyncset.done $0x0  }
0x3d: {  	[sflag:s14] =	ssyncadd.s32 $0xFFFFD800  }
0x3e: {  	s11 =	sadd.s32 $0x1, s11;
	_ =	swait.ge [sflag:s10], $0x2800  }
0x3f: {  	p0 =	sne.s32 s11, s6;
	[sflag:s10] =	ssyncset.done $0x0  }
.Ltmp1:
0x40: {  	[sflag:s10] =	ssyncadd.s32 $0xFFFFD800;
	(pc) =	sbr.rel @p0 .LBB2_1-.Ltmp1, $4  }
0x41: {  	[hbm4b:s5+s3] =	stream.linear.scatter [tilespmem:s9], [sflag:$0x3], $0x2800, $0x38;
	[tilespmem:$0x7780] =	vst v63  }
0x42: {  	_ =	swait.ge [sflag:s8], $0x2800  }
0x43: {  	[sflag:s8] =	ssyncset.done $0x0  }
0x44: {  	[sflag:s8] =	ssyncadd.s32 $0xFFFFD800  }
0x45: {  	_ =	sfence.sel $0x180000  }
0x46: {  	[bflag:$0x0] =	sbarrier.arrive $0xFFFF  }
0x47: {  	p0 =	sne.s32 s0, $0x0;
	_ =	strace $0x90000047  }
0x48: {  	s0 =	sadd.s32 @!p0 $0x100000, s1;
	[bflag:$0x2] =	sbarrier.arrive $0xFFFF  }
0x49: {  	[sflag:s0] =	ssyncadd.tile.s32 @!p0 $0x1;
	_ =	shalt  }
.Lfunc_end2:
_tile_overlayer_lowered:
.L_overlay_start_2:
0x4a: {  	(tag) =	ssettag $0x2  }
0x4b: {  	s0 =	rddreg [dreg:$0x0];
	s2 =	stileid.u32  }
0x4c: {  	s1 =	rddreg [dreg:$0x1];
	p0 =	sne.s32 s2, $0x0  }
0x4d: {  	s3 =	rddreg [dreg:$0x2];
	[bflag:$0x3] =	sbarrier.arrive $0xFFFF;
	s2 =	simm.s32 @!p0 $0x1C03  }
0x4e: {  	[timem:s3], [sflag:s2] =	dma.local @!p0 [hbm:s0], s1  }
0x4f: {  	s0 =	simm.s32 @!p0 $0x3  }
0x50: {  	_ =	swait.ge @!p0 [sflag:s0], s1  }
0x51: {  	s1 =	ssub.s32 @!p0 $0x0, s1;
	[sflag:s0] =	ssyncset.done @!p0 $0x0  }
0x52: {  	[sflag:s0] =	ssyncadd.s32 @!p0 s1  }
0x53: {  	[bflag:$0x3] =	sbarrier.arrive $0xFFFF  }
0x54: {  	_ =	shalt  }

</sc_bundles>
